<compile_context>
chip_gen: v7x
topology: tpu7x:2x2x1
jax: 0.10.2.dev20260603
libtpu: 0.0.44.dev20260713+nightly
codegen_flags: <defaults>
</compile_context>

<pallas_src>
import functools

import jax
import jax.numpy as jnp
from jax import lax
from jax.experimental import pallas as pl
from jax.experimental.pallas import tpu as pltpu
from jax.experimental.pallas import tpu_sc as plsc

N = 10000
E = 320000
H = 128
EPS = 1e-5

BLK = 5000
GRID = N // BLK

NCORE = 2
NSUB = 16
NW = NCORE * NSUB
EPW = E // NW
ECH = 80
KCH = EPW // ECH
NGRP = 5
GCH = KCH // NGRP
NSLOT = 3
RPT = 624
TAIL0 = NSUB * RPT
TAIL = N - TAIL0

_F32 = jnp.float32


def _gelu(v):
    return 0.5 * v * (1.0 + lax.erf(v * 0.7071067811865476))


def _fold(S, cs, W, b, g, beta):
    m = cs * (1.0 / N)
    mlin = jnp.dot(m, W, preferred_element_type=_F32)
    mean = mlin + b
    SW = jnp.dot(S, W, preferred_element_type=_F32) * (1.0 / N)
    ex2 = jnp.sum(W * SW, axis=0, keepdims=True)
    var = ex2 - mlin * mlin
    rstd = g * lax.rsqrt(var + EPS)
    return W * rstd, (b - mean) * rstd + beta


def _gram_acc(S_acc, cs_acc, u):
    S_acc[...] += lax.dot_general(u, u, (((0,), (0,)), ((), ())),
                                  preferred_element_type=_F32)
    cs_acc[...] += jnp.sum(u, axis=0, keepdims=True)


def _init_acc(*refs):
    for r in refs:
        r[...] = jnp.zeros(r.shape, r.dtype)


def _last():
    return pl.program_id(0) == pl.num_programs(0) - 1



def _k1_body(x_ref, W_ref, b_ref, g_ref, be_ref, Wf_ref, sh_ref, S_acc, cs_acc):
    @pl.when(pl.program_id(0) == 0)
    def _():
        _init_acc(S_acc, cs_acc)
    _gram_acc(S_acc, cs_acc, x_ref[...])

    @pl.when(_last())
    def _():
        Wf, sh = _fold(S_acc[...], cs_acc[...], W_ref[...], b_ref[...],
                       g_ref[...], be_ref[...])
        Wf_ref[...] = Wf
        sh_ref[...] = sh



def _k2_body(x_ref, Wf_ref, sh_ref, h_ref):
    h_ref[...] = jnp.dot(x_ref[...], Wf_ref[...],
                         preferred_element_type=_F32) + sh_ref[...]



def _sc_body(h_hbm, eidx_hbm, zero_hbm, out_hbm,
             src_v, dst_v, rows_v, acc_sh, gsem):
    c = lax.axis_index("c")
    s = lax.axis_index("s")
    w = c * NSUB + s
    r0 = s * RPT
    @pl.when(c == 0)
    def _():
        pltpu.sync_copy(h_hbm.at[pl.ds(r0, RPT)], acc_sh.at[pl.ds(r0, RPT)])

        @pl.when(s == NSUB - 1)
        def _():
            pltpu.sync_copy(h_hbm.at[pl.ds(TAIL0, TAIL)],
                            acc_sh.at[pl.ds(TAIL0, TAIL)])

    @pl.when(c != 0)
    def _():
        pltpu.sync_copy(zero_hbm.at[pl.ds(0, RPT)], acc_sh.at[pl.ds(r0, RPT)])

        @pl.when(s == NSUB - 1)
        def _():
            pltpu.sync_copy(zero_hbm.at[pl.ds(0, TAIL)],
                            acc_sh.at[pl.ds(TAIL0, TAIL)])
    plsc.subcore_barrier()

    def slot_view(slot):
        return rows_v.at[pl.ds(slot * ECH, ECH)]

    def gather(j, slot):
        pltpu.async_copy(h_hbm.at[src_v.at[j]], slot_view(slot), gsem.at[slot])

    def gwait(slot):
        pltpu.make_async_copy(h_hbm.at[src_v.at[0]], slot_view(slot),
                              gsem.at[slot]).wait()

    def group(g, carry):
        pltpu.sync_copy(eidx_hbm.at[0, w, g], src_v)
        pltpu.sync_copy(eidx_hbm.at[1, w, g], dst_v)
        gather(0, 0)
        gather(1, 1)

        def step(j, carry2):
            @pl.when(j + 2 < GCH)
            def _():
                gather(j + 2, (j + 2) % NSLOT)
            gwait(j % NSLOT)
            pltpu.sync_copy(slot_view(j % NSLOT), acc_sh.at[dst_v.at[j]],
                            add=True)
            return carry2

        lax.fori_loop(0, GCH, step, 0)
        return carry

    lax.fori_loop(0, NGRP, group, 0)
    plsc.subcore_barrier()
    pltpu.sync_copy(acc_sh.at[pl.ds(r0, RPT)], out_hbm.at[c, pl.ds(r0, RPT)])

    @pl.when(s == NSUB - 1)
    def _():
        pltpu.sync_copy(acc_sh.at[pl.ds(TAIL0, TAIL)],
                        out_hbm.at[c, pl.ds(TAIL0, TAIL)])


@functools.lru_cache(maxsize=1)
def _get_sc_scatter():
    return functools.partial(
        pl.kernel,
        out_type=jax.ShapeDtypeStruct((NCORE, N, H), _F32),
        mesh=plsc.VectorSubcoreMesh(core_axis_name="c", subcore_axis_name="s"),
        scratch_types=[
            pltpu.VMEM((GCH, ECH), jnp.int32),
            pltpu.VMEM((GCH, ECH), jnp.int32),
            pltpu.VMEM((NSLOT * ECH, H), _F32),
            pltpu.VMEM_SHARED((N, H), _F32),
            pltpu.SemaphoreType.DMA((NSLOT,)),
        ],
    )(_sc_body)


def _scatter_partials(h, eidx, zero):
    return _get_sc_scatter()(h, eidx, zero)



def _k3_body(agg_ref, W_ref, b_ref, g_ref, be_ref,
             z0_ref, Wf_ref, sh_ref, S_acc, cs_acc):
    @pl.when(pl.program_id(0) == 0)
    def _():
        _init_acc(S_acc, cs_acc)
    z0 = agg_ref[0] + agg_ref[1]
    z0_ref[...] = z0.astype(jnp.bfloat16)
    _gram_acc(S_acc, cs_acc, z0)

    @pl.when(_last())
    def _():
        Wf, sh = _fold(S_acc[...], cs_acc[...], W_ref[...], b_ref[...],
                       g_ref[...], be_ref[...])
        Wf_ref[...] = Wf
        sh_ref[...] = sh



def _k4_body(z0_ref, Wf2_ref, sh2_ref, W2_ref, b2_ref,
             Wn_ref, bn_ref, gn_ref, ben_ref,
             s_ref, Wf_ref, sh_ref, S_acc, cs_acc):
    @pl.when(pl.program_id(0) == 0)
    def _():
        _init_acc(S_acc, cs_acc)
    z1 = jnp.dot(z0_ref[...].astype(_F32), Wf2_ref[...],
                 preferred_element_type=_F32) + sh2_ref[...]
    u = _gelu(z1)
    sb = jnp.dot(u, W2_ref[...], preferred_element_type=_F32) + b2_ref[...]
    s_ref[...] = sb.astype(jnp.bfloat16)
    _gram_acc(S_acc, cs_acc, sb)

    @pl.when(_last())
    def _():
        Wf, sh = _fold(S_acc[...], cs_acc[...], Wn_ref[...], bn_ref[...],
                       gn_ref[...], ben_ref[...])
        Wf_ref[...] = Wf
        sh_ref[...] = sh



def _k5_body(s_ref, Wf3_ref, sh3_ref, W2_ref, b2_ref, g_ref, be_ref,
             Y_ref, sc_ref, sh_ref, cs_acc, css_acc):
    @pl.when(pl.program_id(0) == 0)
    def _():
        _init_acc(cs_acc, css_acc)
    y1 = jnp.dot(s_ref[...].astype(_F32), Wf3_ref[...],
                 preferred_element_type=_F32) + sh3_ref[...]
    v = _gelu(y1)
    Y = jnp.dot(v, W2_ref[...], preferred_element_type=_F32) + b2_ref[...]
    Y_ref[...] = Y.astype(jnp.bfloat16)
    cs_acc[...] += jnp.sum(Y, axis=0, keepdims=True)
    css_acc[...] += jnp.sum(Y * Y, axis=0, keepdims=True)

    @pl.when(_last())
    def _():
        mean = cs_acc[...] * (1.0 / N)
        var = css_acc[...] * (1.0 / N) - mean * mean
        scale = g_ref[...] * lax.rsqrt(var + EPS)
        sc_ref[...] = scale
        sh_ref[...] = be_ref[...] - mean * scale



def _k6_body(Y_ref, sc4_ref, sh4_ref, s_ref, x_ref,
             Wn_ref, bn_ref, gn_ref, ben_ref,
             y_ref, Wf_ref, sh_ref, S_acc, cs_acc):
    @pl.when(pl.program_id(0) == 0)
    def _():
        _init_acc(S_acc, cs_acc)
    y = (Y_ref[...].astype(_F32) * sc4_ref[...] + sh4_ref[...]
         + s_ref[...].astype(_F32) + x_ref[...])
    y_ref[...] = y.astype(jnp.bfloat16)
    _gram_acc(S_acc, cs_acc, y)

    @pl.when(_last())
    def _():
        Wf, sh = _fold(S_acc[...], cs_acc[...], Wn_ref[...], bn_ref[...],
                       gn_ref[...], ben_ref[...])
        Wf_ref[...] = Wf
        sh_ref[...] = sh



def _k7_body(y_ref, Wf5_ref, sh5_ref, W2_ref, b2_ref, g_ref, be_ref,
             Y_ref, sc_ref, sh_ref, cs_acc, css_acc):
    @pl.when(pl.program_id(0) == 0)
    def _():
        _init_acc(cs_acc, css_acc)
    t1 = jnp.dot(y_ref[...].astype(_F32), Wf5_ref[...],
                 preferred_element_type=_F32) + sh5_ref[...]
    w = _gelu(t1)
    Y = jnp.dot(w, W2_ref[...], preferred_element_type=_F32) + b2_ref[...]
    Y_ref[...] = Y.astype(jnp.bfloat16)
    cs_acc[...] += jnp.sum(Y, axis=0, keepdims=True)
    css_acc[...] += jnp.sum(Y * Y, axis=0, keepdims=True)

    @pl.when(_last())
    def _():
        mean = cs_acc[...] * (1.0 / N)
        var = css_acc[...] * (1.0 / N) - mean * mean
        scale = g_ref[...] * lax.rsqrt(var + EPS)
        sc_ref[...] = scale
        sh_ref[...] = be_ref[...] - mean * scale



def _k8_body(Y_ref, sc_ref, sh_ref, y_ref, o_ref):
    o_ref[...] = (Y_ref[...].astype(_F32) * sc_ref[...] + sh_ref[...]
                  + y_ref[...].astype(_F32))



def _blk(n_rows, cols):
    return pl.BlockSpec((n_rows, cols), lambda i: (i, 0))


def _full(r, c):
    return pl.BlockSpec((r, c), lambda i: (0, 0))


def _sds(shape, dtype=_F32):
    return jax.ShapeDtypeStruct(shape, dtype)


def _call(body, in_specs, out_specs, out_shapes, scratch):
    return pl.pallas_call(
        body,
        grid=(GRID,),
        in_specs=in_specs,
        out_specs=out_specs,
        out_shape=out_shapes,
        scratch_shapes=scratch,
    )


def kernel(x, edge_index, W_ne, b_ne, g_a, b_a, W_g1, b_g1, g_g, b_g,
           W_g2, b_g2, W_f1, b_f1, g_f1, be_f1, W_f2, b_f2, g_f2, be_f2,
           W_n1, b_n1, g_n1, be_n1, W_n2, b_n2, g_n2, be_n2):
    r = lambda v: v.reshape(1, -1)
    H2, H4 = 2 * H, 4 * H

    k1 = _call(_k1_body,
               [_blk(BLK, H), _full(H, H)] + [_full(1, H)] * 3,
               [_full(H, H), _full(1, H)],
               [_sds((H, H)), _sds((1, H))],
               [pltpu.VMEM((H, H), _F32), pltpu.VMEM((1, H), _F32)])
    Wf1, sh1 = k1(x, W_ne, r(b_ne), r(g_a), r(b_a))

    k2 = _call(_k2_body,
               [_blk(BLK, H), _full(H, H), _full(1, H)],
               [_blk(BLK, H)], [_sds((N, H))], [])
    h, = k2(x, Wf1, sh1)

    eidx = edge_index.reshape(2, NW, NGRP, GCH, ECH)
    aggp = _scatter_partials(h, eidx, jnp.zeros((RPT + TAIL, H), _F32))

    k3 = _call(_k3_body,
               [pl.BlockSpec((NCORE, BLK, H), lambda i: (0, i, 0)),
                _full(H, H)] + [_full(1, H)] * 3,
               [_blk(BLK, H), _full(H, H), _full(1, H)],
               [_sds((N, H), jnp.bfloat16), _sds((H, H)), _sds((1, H))],
               [pltpu.VMEM((H, H), _F32), pltpu.VMEM((1, H), _F32)])
    z0, Wf2, sh2 = k3(aggp, W_g1, r(b_g1), r(g_g), r(b_g))

    k4 = _call(_k4_body,
               [_blk(BLK, H), _full(H, H), _full(1, H), _full(H, H), _full(1, H),
                _full(H, H2), _full(1, H2), _full(1, H2), _full(1, H2)],
               [_blk(BLK, H), _full(H, H2), _full(1, H2)],
               [_sds((N, H), jnp.bfloat16), _sds((H, H2)), _sds((1, H2))],
               [pltpu.VMEM((H, H), _F32), pltpu.VMEM((1, H), _F32)])
    s, Wf3, sh3 = k4(z0, Wf2, sh2, W_g2, r(b_g2), W_f1, r(b_f1), r(g_f1), r(be_f1))

    k5 = _call(_k5_body,
               [_blk(BLK, H), _full(H, H2), _full(1, H2), _full(H2, H), _full(1, H),
                _full(1, H), _full(1, H)],
               [_blk(BLK, H), _full(1, H), _full(1, H)],
               [_sds((N, H), jnp.bfloat16), _sds((1, H)), _sds((1, H))],
               [pltpu.VMEM((1, H), _F32), pltpu.VMEM((1, H), _F32)])
    Y4, sc4, sh4 = k5(s, Wf3, sh3, W_f2, r(b_f2), r(g_f2), r(be_f2))

    k6 = _call(_k6_body,
               [_blk(BLK, H), _full(1, H), _full(1, H), _blk(BLK, H), _blk(BLK, H),
                _full(H, H4), _full(1, H4), _full(1, H4), _full(1, H4)],
               [_blk(BLK, H), _full(H, H4), _full(1, H4)],
               [_sds((N, H), jnp.bfloat16), _sds((H, H4)), _sds((1, H4))],
               [pltpu.VMEM((H, H), _F32), pltpu.VMEM((1, H), _F32)])
    y, Wf5, sh5 = k6(Y4, sc4, sh4, s, x, W_n1, r(b_n1), r(g_n1), r(be_n1))

    k7 = _call(_k7_body,
               [_blk(BLK, H), _full(H, H4), _full(1, H4), _full(H4, H), _full(1, H),
                _full(1, H), _full(1, H)],
               [_blk(BLK, H), _full(1, H), _full(1, H)],
               [_sds((N, H), jnp.bfloat16), _sds((1, H)), _sds((1, H))],
               [pltpu.VMEM((1, H), _F32), pltpu.VMEM((1, H), _F32)])
    Y6, sc6, sh6 = k7(y, Wf5, sh5, W_n2, r(b_n2), r(g_n2), r(be_n2))

    k8 = _call(_k8_body,
               [_blk(BLK, H), _full(1, H), _full(1, H), _blk(BLK, H)],
               [_blk(BLK, H)], [_sds((N, H))], [])
    out, = k8(Y6, sc6, sh6, y)
    return out

# --- scband reference (transcript-rebuilt; emitter-appended) ---
"""Pipeline reference for scband-gingrapher-layer-44590350467907 (READ-ONLY COPY).

The authoritative reference and input builder live on the scoring server;
editing this copy changes nothing except your own understanding.
"""

import jax, jax.numpy as jnp
import numpy as np

N = 10000
E = 320000
H = 128
EPS = 1e-5

def _bnorm(x, g, b):
    # BatchNorm1d in training mode: normalize with batch statistics (biased var)
    m = jnp.mean(x, axis=0)
    v = jnp.var(x, axis=0)
    return (x - m) / jnp.sqrt(v + EPS) * g + b

def setup_inputs(seed: int = 0) -> dict:
    key = jax.random.key(seed)
    ks = jax.random.split(key, 32)
    def w(k, shape):
        return jax.random.normal(k, shape, dtype=jnp.float32) * 0.02
    inp = {}
    inp['x'] = jax.random.normal(ks[0], (N, H), dtype=jnp.float32)
    inp['edge_index'] = jax.random.randint(ks[1], (2, E), 0, N, dtype=jnp.int32)
    # node_encoder Linear(H,H)
    inp['W_ne'] = w(ks[2], (H, H)); inp['b_ne'] = jnp.zeros((H,), jnp.float32)
    # batch_norm after node_encoder
    inp['g_a'] = jnp.ones((H,), jnp.float32); inp['b_a'] = jnp.zeros((H,), jnp.float32)
    # GINConv MLP: Linear(H,H) -> BN -> GELU -> Linear(H,H)
    inp['W_g1'] = w(ks[3], (H, H)); inp['b_g1'] = jnp.zeros((H,), jnp.float32)
    inp['g_g'] = jnp.ones((H,), jnp.float32); inp['b_g'] = jnp.zeros((H,), jnp.float32)
    inp['W_g2'] = w(ks[4], (H, H)); inp['b_g2'] = jnp.zeros((H,), jnp.float32)
    # fc2 = FFN(H, 2H)
    inp['W_f1'] = w(ks[5], (H, 2 * H)); inp['b_f1'] = jnp.zeros((2 * H,), jnp.float32)
    inp['g_f1'] = jnp.ones((2 * H,), jnp.float32); inp['be_f1'] = jnp.zeros((2 * H,), jnp.float32)
    inp['W_f2'] = w(ks[6], (2 * H, H)); inp['b_f2'] = jnp.zeros((H,), jnp.float32)
    inp['g_f2'] = jnp.ones((H,), jnp.float32); inp['be_f2'] = jnp.zeros((H,), jnp.float32)
    # ffn = FFN(H, 4H)
    inp['W_n1'] = w(ks[7], (H, 4 * H)); inp['b_n1'] = jnp.zeros((4 * H,), jnp.float32)
    inp['g_n1'] = jnp.ones((4 * H,), jnp.float32); inp['be_n1'] = jnp.zeros((4 * H,), jnp.float32)
    inp['W_n2'] = w(ks[8], (4 * H, H)); inp['b_n2'] = jnp.zeros((H,), jnp.float32)
    inp['g_n2'] = jnp.ones((H,), jnp.float32); inp['be_n2'] = jnp.zeros((H,), jnp.float32)
    return inp

def reference(x, edge_index, W_ne, b_ne, g_a, b_a, W_g1, b_g1, g_g, b_g, W_g2, b_g2,
              W_f1, b_f1, g_f1, be_f1, W_f2, b_f2, g_f2, be_f2,
              W_n1, b_n1, g_n1, be_n1, W_n2, b_n2, g_n2, be_n2):
    tmp = x
    # node_encoder + batch_norm
    h = _bnorm(x @ W_ne + b_ne, g_a, b_a)
    # GINConv: out = MLP((1+eps)*x + sum_{j in N(i)} x_j), eps=0
    src = edge_index[0]
    dst = edge_index[1]
    agg = jnp.zeros_like(h).at[dst].add(h[src])
    z = h + agg
    z = z @ W_g1 + b_g1
    z = _bnorm(z, g_g, b_g)
    z = jax.nn.gelu(z, approximate=False)
    z = z @ W_g2 + b_g2
    # fc2: FFN(H, 2H) with residual
    s = z
    y = _bnorm(z @ W_f1 + b_f1, g_f1, be_f1)
    y = jax.nn.gelu(y, approximate=False)
    y = _bnorm(y @ W_f2 + b_f2, g_f2, be_f2)
    y = y + s
    # outer residual
    y = tmp + y
    # ffn: FFN(H, 4H) with residual
    s2 = y
    t = _bnorm(y @ W_n1 + b_n1, g_n1, be_n1)
    t = jax.nn.gelu(t, approximate=False)
    t = _bnorm(t @ W_n2 + b_n2, g_n2, be_n2)
    return t + s2

if __name__ == "__main__":
    import jax
    _d = setup_inputs()
    print(jax.jit(kernel)(*tuple(_d.values())))

</pallas_src>

<mosaic_0001>
#map = affine_map<(d0, d1) -> (0, 0)>
#map1 = affine_map<(d0, d1) -> (0, 0, 0, 0, 0)>
#map2 = affine_map<(d0, d1) -> (0, 0, 0)>
module attributes {stable_mosaic.version = 14 : i64} {
  func.func @_sc_body(%arg0: i32, %arg1: i32, %arg2: memref<10000x128xf32, #tpu.memory_space<hbm>>, %arg3: memref<2x32x5x25x80xi32, #tpu.memory_space<hbm>>, %arg4: memref<640x128xf32, #tpu.memory_space<hbm>>, %arg5: memref<2x10000x128xf32, #tpu.memory_space<hbm>>, %arg6: memref<25x80xi32, #tpu.memory_space<vmem>>, %arg7: memref<25x80xi32, #tpu.memory_space<vmem>>, %arg8: memref<240x128xf32, #tpu.memory_space<vmem>>, %arg9: memref<10000x128xf32, #tpu.memory_space<vmem_shared>>, %arg10: memref<3x!tpu.dma_semaphore, #tpu.memory_space<semaphore_mem>>) attributes {dimension_semantics = [#tpu.dimension_semantics<core_parallel>, #tpu.dimension_semantics<subcore_parallel>], iteration_bounds = array<i64: 2, 16>, scalar_prefetch = 0 : i64, scratch_operands = 5 : i64, tpu.core_type = #tpu.core_type<sc_vector_subcore>, window_params = [{transform_indices = #map}, {transform_indices = #map1}, {transform_indices = #map}, {transform_indices = #map2}]} {
    %mul3A = arith.constant 16 : i32
    %mul3A_0 = arith.muli %arg0, %mul3A : i32
    %add3A = arith.addi %mul3A_0, %arg1 : i32
    %mul3A_1 = arith.constant 624 : i32
    %mul3A_2 = arith.muli %arg1, %mul3A_1 : i32
    %eq3A = arith.constant 0 : i32
    %eq3A_3 = arith.cmpi eq, %arg0, %eq3A : i32
    %convert_element_type3A = arith.extui %eq3A_3 : i1 to i32
    %cond3A = arith.constant 0 : i32
    %cond3A_4 = arith.cmpi ne, %convert_element_type3A, %cond3A : i32
    scf.if %cond3A_4 {
      "tpu.region"() ({
        %run_scoped3A = tpu.sem_alloc : memref<!tpu.dma_semaphore, #tpu.memory_space<semaphore_mem>>
        %dma_start3A = arith.constant 0 : i32
        %dma_start3A_25 = tpu.memref_slice %arg9[%mul3A_2, %dma_start3A] : memref<10000x128xf32, #tpu.memory_space<vmem_shared>> -> memref<624x128xf32, #tpu.memory_space<vmem_shared>>
        %dma_start3A_26 = arith.constant 0 : i32
        %dma_start3A_27 = tpu.memref_slice %arg2[%mul3A_2, %dma_start3A_26] : memref<10000x128xf32, #tpu.memory_space<hbm>> -> memref<624x128xf32, #tpu.memory_space<hbm>>
        tpu.enqueue_dma source(%dma_start3A_27 : memref<624x128xf32, #tpu.memory_space<hbm>>) target(%dma_start3A_25 : memref<624x128xf32, #tpu.memory_space<vmem_shared>>) target_semaphore(%run_scoped3A : memref<!tpu.dma_semaphore, #tpu.memory_space<semaphore_mem>>)
        %dma_wait3A = arith.constant 0 : i32
        %dma_wait3A_28 = tpu.memref_slice %arg9[%mul3A_2, %dma_wait3A] : memref<10000x128xf32, #tpu.memory_space<vmem_shared>> -> memref<624x128xf32, #tpu.memory_space<vmem_shared>>
        %dma_wait3A_29 = arith.constant 0 : i32
        %dma_wait3A_30 = tpu.memref_slice %arg2[%mul3A_2, %dma_wait3A_29] : memref<10000x128xf32, #tpu.memory_space<hbm>> -> memref<624x128xf32, #tpu.memory_space<hbm>>
        tpu.wait_dma2 semaphore(%run_scoped3A : memref<!tpu.dma_semaphore, #tpu.memory_space<semaphore_mem>>) src(%dma_wait3A_30 : memref<624x128xf32, #tpu.memory_space<hbm>>) dst(%dma_wait3A_28 : memref<624x128xf32, #tpu.memory_space<vmem_shared>>)
        tpu.yield
      }) : () -> ()
      %eq3A_20 = arith.constant 15 : i32
      %eq3A_21 = arith.cmpi eq, %arg1, %eq3A_20 : i32
      %convert_element_type3A_22 = arith.extui %eq3A_21 : i1 to i32
      %cond3A_23 = arith.constant 0 : i32
      %cond3A_24 = arith.cmpi ne, %convert_element_type3A_22, %cond3A_23 : i32
      scf.if %cond3A_24 {
        "tpu.region"() ({
          %run_scoped3A = tpu.sem_alloc : memref<!tpu.dma_semaphore, #tpu.memory_space<semaphore_mem>>
          %dma_start3A = arith.constant 9984 : i32
          %dma_start3A_25 = arith.constant 0 : i32
          %dma_start3A_26 = tpu.memref_slice %arg9[%dma_start3A, %dma_start3A_25] : memref<10000x128xf32, #tpu.memory_space<vmem_shared>> -> memref<16x128xf32, #tpu.memory_space<vmem_shared>>
          %dma_start3A_27 = arith.constant 9984 : i32
          %dma_start3A_28 = arith.constant 0 : i32
          %dma_start3A_29 = tpu.memref_slice %arg2[%dma_start3A_27, %dma_start3A_28] : memref<10000x128xf32, #tpu.memory_space<hbm>> -> memref<16x128xf32, #tpu.memory_space<hbm>>
          tpu.enqueue_dma source(%dma_start3A_29 : memref<16x128xf32, #tpu.memory_space<hbm>>) target(%dma_start3A_26 : memref<16x128xf32, #tpu.memory_space<vmem_shared>>) target_semaphore(%run_scoped3A : memref<!tpu.dma_semaphore, #tpu.memory_space<semaphore_mem>>)
          %dma_wait3A = arith.constant 9984 : i32
          %dma_wait3A_30 = arith.constant 0 : i32
          %dma_wait3A_31 = tpu.memref_slice %arg9[%dma_wait3A, %dma_wait3A_30] : memref<10000x128xf32, #tpu.memory_space<vmem_shared>> -> memref<16x128xf32, #tpu.memory_space<vmem_shared>>
          %dma_wait3A_32 = arith.constant 9984 : i32
          %dma_wait3A_33 = arith.constant 0 : i32
          %dma_wait3A_34 = tpu.memref_slice %arg2[%dma_wait3A_32, %dma_wait3A_33] : memref<10000x128xf32, #tpu.memory_space<hbm>> -> memref<16x128xf32, #tpu.memory_space<hbm>>
          tpu.wait_dma2 semaphore(%run_scoped3A : memref<!tpu.dma_semaphore, #tpu.memory_space<semaphore_mem>>) src(%dma_wait3A_34 : memref<16x128xf32, #tpu.memory_space<hbm>>) dst(%dma_wait3A_31 : memref<16x128xf32, #tpu.memory_space<vmem_shared>>)
          tpu.yield
        }) : () -> ()
      } else {
      }
    } else {
    }
    %ne3A = arith.constant 0 : i32
    %ne3A_5 = arith.cmpi ne, %arg0, %ne3A : i32
    %convert_element_type3A_6 = arith.extui %ne3A_5 : i1 to i32
    %cond3A_7 = arith.constant 0 : i32
    %cond3A_8 = arith.cmpi ne, %convert_element_type3A_6, %cond3A_7 : i32
    scf.if %cond3A_8 {
      "tpu.region"() ({
        %run_scoped3A = tpu.sem_alloc : memref<!tpu.dma_semaphore, #tpu.memory_space<semaphore_mem>>
        %dma_start3A = arith.constant 0 : i32
        %dma_start3A_25 = tpu.memref_slice %arg9[%mul3A_2, %dma_start3A] : memref<10000x128xf32, #tpu.memory_space<vmem_shared>> -> memref<624x128xf32, #tpu.memory_space<vmem_shared>>
        %dma_start3A_26 = arith.constant 0 : i32
        %dma_start3A_27 = arith.constant 0 : i32
        %dma_start3A_28 = tpu.memref_slice %arg4[%dma_start3A_26, %dma_start3A_27] : memref<640x128xf32, #tpu.memory_space<hbm>> -> memref<624x128xf32, #tpu.memory_space<hbm>>
        tpu.enqueue_dma source(%dma_start3A_28 : memref<624x128xf32, #tpu.memory_space<hbm>>) target(%dma_start3A_25 : memref<624x128xf32, #tpu.memory_space<vmem_shared>>) target_semaphore(%run_scoped3A : memref<!tpu.dma_semaphore, #tpu.memory_space<semaphore_mem>>)
        %dma_wait3A = arith.constant 0 : i32
        %dma_wait3A_29 = tpu.memref_slice %arg9[%mul3A_2, %dma_wait3A] : memref<10000x128xf32, #tpu.memory_space<vmem_shared>> -> memref<624x128xf32, #tpu.memory_space<vmem_shared>>
        %dma_wait3A_30 = arith.constant 0 : i32
        %dma_wait3A_31 = arith.constant 0 : i32
        %dma_wait3A_32 = tpu.memref_slice %arg4[%dma_wait3A_30, %dma_wait3A_31] : memref<640x128xf32, #tpu.memory_space<hbm>> -> memref<624x128xf32, #tpu.memory_space<hbm>>
        tpu.wait_dma2 semaphore(%run_scoped3A : memref<!tpu.dma_semaphore, #tpu.memory_space<semaphore_mem>>) src(%dma_wait3A_32 : memref<624x128xf32, #tpu.memory_space<hbm>>) dst(%dma_wait3A_29 : memref<624x128xf32, #tpu.memory_space<vmem_shared>>)
        tpu.yield
      }) : () -> ()
      %eq3A_20 = arith.constant 15 : i32
      %eq3A_21 = arith.cmpi eq, %arg1, %eq3A_20 : i32
      %convert_element_type3A_22 = arith.extui %eq3A_21 : i1 to i32
      %cond3A_23 = arith.constant 0 : i32
      %cond3A_24 = arith.cmpi ne, %convert_element_type3A_22, %cond3A_23 : i32
      scf.if %cond3A_24 {
        "tpu.region"() ({
          %run_scoped3A = tpu.sem_alloc : memref<!tpu.dma_semaphore, #tpu.memory_space<semaphore_mem>>
          %dma_start3A = arith.constant 9984 : i32
          %dma_start3A_25 = arith.constant 0 : i32
          %dma_start3A_26 = tpu.memref_slice %arg9[%dma_start3A, %dma_start3A_25] : memref<10000x128xf32, #tpu.memory_space<vmem_shared>> -> memref<16x128xf32, #tpu.memory_space<vmem_shared>>
          %dma_start3A_27 = arith.constant 0 : i32
          %dma_start3A_28 = arith.constant 0 : i32
          %dma_start3A_29 = tpu.memref_slice %arg4[%dma_start3A_27, %dma_start3A_28] : memref<640x128xf32, #tpu.memory_space<hbm>> -> memref<16x128xf32, #tpu.memory_space<hbm>>
          tpu.enqueue_dma source(%dma_start3A_29 : memref<16x128xf32, #tpu.memory_space<hbm>>) target(%dma_start3A_26 : memref<16x128xf32, #tpu.memory_space<vmem_shared>>) target_semaphore(%run_scoped3A : memref<!tpu.dma_semaphore, #tpu.memory_space<semaphore_mem>>)
          %dma_wait3A = arith.constant 9984 : i32
          %dma_wait3A_30 = arith.constant 0 : i32
          %dma_wait3A_31 = tpu.memref_slice %arg9[%dma_wait3A, %dma_wait3A_30] : memref<10000x128xf32, #tpu.memory_space<vmem_shared>> -> memref<16x128xf32, #tpu.memory_space<vmem_shared>>
          %dma_wait3A_32 = arith.constant 0 : i32
          %dma_wait3A_33 = arith.constant 0 : i32
          %dma_wait3A_34 = tpu.memref_slice %arg4[%dma_wait3A_32, %dma_wait3A_33] : memref<640x128xf32, #tpu.memory_space<hbm>> -> memref<16x128xf32, #tpu.memory_space<hbm>>
          tpu.wait_dma2 semaphore(%run_scoped3A : memref<!tpu.dma_semaphore, #tpu.memory_space<semaphore_mem>>) src(%dma_wait3A_34 : memref<16x128xf32, #tpu.memory_space<hbm>>) dst(%dma_wait3A_31 : memref<16x128xf32, #tpu.memory_space<vmem_shared>>)
          tpu.yield
        }) : () -> ()
      } else {
      }
    } else {
    }
    %barrier3A = arith.constant 0 : index
    tpu.barrier barrier_id(%barrier3A)
    %scan3A = arith.constant 0 : i32
    %scan3A_9 = arith.constant 0 : i32
    %scan3A_10 = arith.constant 5 : i32
    %scan3A_11 = arith.addi %scan3A_9, %scan3A_10 : i32
    %scan3A_12 = arith.constant 1 : i32
    scf.for %scan3A_20 = %scan3A_9 to %scan3A_11 step %scan3A_12  : i32 {
      %run_scoped3A = arith.constant 0 : i32
      "tpu.region"() ({
        %run_scoped3A_53 = tpu.sem_alloc : memref<!tpu.dma_semaphore, #tpu.memory_space<semaphore_mem>>
        %dma_start3A_54 = arith.constant 0 : i32
        %dma_start3A_55 = arith.constant 0 : i32
        %dma_start3A_56 = tpu.memref_slice %arg3[%run_scoped3A, %add3A, %scan3A_20, %dma_start3A_54, %dma_start3A_55] : memref<2x32x5x25x80xi32, #tpu.memory_space<hbm>> -> memref<1x1x1x25x80xi32, #tpu.memory_space<hbm>>
        %dma_start3A_57 = tpu.memref_squeeze %dma_start3A_56 : memref<1x1x1x25x80xi32, #tpu.memory_space<hbm>> -> memref<25x80xi32, #tpu.memory_space<hbm>>
        %dma_start3A_58 = arith.constant 0 : i32
        %dma_start3A_59 = arith.constant 0 : i32
        %dma_start3A_60 = tpu.memref_slice %arg3[%run_scoped3A, %add3A, %scan3A_20, %dma_start3A_58, %dma_start3A_59] : memref<2x32x5x25x80xi32, #tpu.memory_space<hbm>> -> memref<1x1x1x25x80xi32, #tpu.memory_space<hbm>>
        %dma_start3A_61 = tpu.memref_squeeze %dma_start3A_60 : memref<1x1x1x25x80xi32, #tpu.memory_space<hbm>> -> memref<25x80xi32, #tpu.memory_space<hbm>>
        tpu.enqueue_dma source(%dma_start3A_61 : memref<25x80xi32, #tpu.memory_space<hbm>>) target(%arg6 : memref<25x80xi32, #tpu.memory_space<vmem>>) target_semaphore(%run_scoped3A_53 : memref<!tpu.dma_semaphore, #tpu.memory_space<semaphore_mem>>)
        %dma_wait3A = arith.constant 0 : i32
        %dma_wait3A_62 = arith.constant 0 : i32
        %dma_wait3A_63 = tpu.memref_slice %arg3[%run_scoped3A, %add3A, %scan3A_20, %dma_wait3A, %dma_wait3A_62] : memref<2x32x5x25x80xi32, #tpu.memory_space<hbm>> -> memref<1x1x1x25x80xi32, #tpu.memory_space<hbm>>
        %dma_wait3A_64 = tpu.memref_squeeze %dma_wait3A_63 : memref<1x1x1x25x80xi32, #tpu.memory_space<hbm>> -> memref<25x80xi32, #tpu.memory_space<hbm>>
        %dma_wait3A_65 = arith.constant 0 : i32
        %dma_wait3A_66 = arith.constant 0 : i32
        %dma_wait3A_67 = tpu.memref_slice %arg3[%run_scoped3A, %add3A, %scan3A_20, %dma_wait3A_65, %dma_wait3A_66] : memref<2x32x5x25x80xi32, #tpu.memory_space<hbm>> -> memref<1x1x1x25x80xi32, #tpu.memory_space<hbm>>
        %dma_wait3A_68 = tpu.memref_squeeze %dma_wait3A_67 : memref<1x1x1x25x80xi32, #tpu.memory_space<hbm>> -> memref<25x80xi32, #tpu.memory_space<hbm>>
        tpu.wait_dma2 semaphore(%run_scoped3A_53 : memref<!tpu.dma_semaphore, #tpu.memory_space<semaphore_mem>>) src(%dma_wait3A_68 : memref<25x80xi32, #tpu.memory_space<hbm>>) dst(%arg6 : memref<25x80xi32, #tpu.memory_space<vmem>>)
        tpu.yield
      }) : () -> ()
      %run_scoped3A_21 = arith.constant 1 : i32
      "tpu.region"() ({
        %run_scoped3A_53 = tpu.sem_alloc : memref<!tpu.dma_semaphore, #tpu.memory_space<semaphore_mem>>
        %dma_start3A_54 = arith.constant 0 : i32
        %dma_start3A_55 = arith.constant 0 : i32
        %dma_start3A_56 = tpu.memref_slice %arg3[%run_scoped3A_21, %add3A, %scan3A_20, %dma_start3A_54, %dma_start3A_55] : memref<2x32x5x25x80xi32, #tpu.memory_space<hbm>> -> memref<1x1x1x25x80xi32, #tpu.memory_space<hbm>>
        %dma_start3A_57 = tpu.memref_squeeze %dma_start3A_56 : memref<1x1x1x25x80xi32, #tpu.memory_space<hbm>> -> memref<25x80xi32, #tpu.memory_space<hbm>>
        %dma_start3A_58 = arith.constant 0 : i32
        %dma_start3A_59 = arith.constant 0 : i32
        %dma_start3A_60 = tpu.memref_slice %arg3[%run_scoped3A_21, %add3A, %scan3A_20, %dma_start3A_58, %dma_start3A_59] : memref<2x32x5x25x80xi32, #tpu.memory_space<hbm>> -> memref<1x1x1x25x80xi32, #tpu.memory_space<hbm>>
        %dma_start3A_61 = tpu.memref_squeeze %dma_start3A_60 : memref<1x1x1x25x80xi32, #tpu.memory_space<hbm>> -> memref<25x80xi32, #tpu.memory_space<hbm>>
        tpu.enqueue_dma source(%dma_start3A_61 : memref<25x80xi32, #tpu.memory_space<hbm>>) target(%arg7 : memref<25x80xi32, #tpu.memory_space<vmem>>) target_semaphore(%run_scoped3A_53 : memref<!tpu.dma_semaphore, #tpu.memory_space<semaphore_mem>>)
        %dma_wait3A = arith.constant 0 : i32
        %dma_wait3A_62 = arith.constant 0 : i32
        %dma_wait3A_63 = tpu.memref_slice %arg3[%run_scoped3A_21, %add3A, %scan3A_20, %dma_wait3A, %dma_wait3A_62] : memref<2x32x5x25x80xi32, #tpu.memory_space<hbm>> -> memref<1x1x1x25x80xi32, #tpu.memory_space<hbm>>
        %dma_wait3A_64 = tpu.memref_squeeze %dma_wait3A_63 : memref<1x1x1x25x80xi32, #tpu.memory_space<hbm>> -> memref<25x80xi32, #tpu.memory_space<hbm>>
        %dma_wait3A_65 = arith.constant 0 : i32
        %dma_wait3A_66 = arith.constant 0 : i32
        %dma_wait3A_67 = tpu.memref_slice %arg3[%run_scoped3A_21, %add3A, %scan3A_20, %dma_wait3A_65, %dma_wait3A_66] : memref<2x32x5x25x80xi32, #tpu.memory_space<hbm>> -> memref<1x1x1x25x80xi32, #tpu.memory_space<hbm>>
        %dma_wait3A_68 = tpu.memref_squeeze %dma_wait3A_67 : memref<1x1x1x25x80xi32, #tpu.memory_space<hbm>> -> memref<25x80xi32, #tpu.memory_space<hbm>>
        tpu.wait_dma2 semaphore(%run_scoped3A_53 : memref<!tpu.dma_semaphore, #tpu.memory_space<semaphore_mem>>) src(%dma_wait3A_68 : memref<25x80xi32, #tpu.memory_space<hbm>>) dst(%arg7 : memref<25x80xi32, #tpu.memory_space<vmem>>)
        tpu.yield
      }) : () -> ()
      %dma_start3A = arith.constant 0 : i32
      %dma_start3A_22 = arith.constant 0 : i32
      %dma_start3A_23 = arith.constant 0 : i32
      %dma_start3A_24 = arith.constant 0 : i32
      %dma_start3A_25 = tpu.memref_slice %arg8[%dma_start3A_23, %dma_start3A_24] : memref<240x128xf32, #tpu.memory_space<vmem>> -> memref<80x128xf32, #tpu.memory_space<vmem>>
      %dma_start3A_26 = arith.constant 0 : i32
      %dma_start3A_27 = tpu.memref_slice %arg6[%dma_start3A, %dma_start3A_26] : memref<25x80xi32, #tpu.memory_space<vmem>> -> memref<1x80xi32, #tpu.memory_space<vmem>>
      %dma_start3A_28 = tpu.memref_squeeze %dma_start3A_27 : memref<1x80xi32, #tpu.memory_space<vmem>> -> memref<80xi32, #tpu.memory_space<vmem>>
      %dma_start3A_29 = arith.constant 0 : i32
      %dma_start3A_30 = arith.constant 0 : i32
      %dma_start3A_31 = tpu.memref_slice %arg2[%dma_start3A_29, %dma_start3A_30] : memref<10000x128xf32, #tpu.memory_space<hbm>> -> memref<10000x128xf32, #tpu.memory_space<hbm>>
      %dma_start3A_32 = tpu.memref_slice %arg10[%dma_start3A_22] : memref<3x!tpu.dma_semaphore, #tpu.memory_space<semaphore_mem>> -> memref<1x!tpu.dma_semaphore, #tpu.memory_space<semaphore_mem>>
      %dma_start3A_33 = tpu.memref_squeeze %dma_start3A_32 : memref<1x!tpu.dma_semaphore, #tpu.memory_space<semaphore_mem>> -> memref<!tpu.dma_semaphore, #tpu.memory_space<semaphore_mem>>
      tpu.enqueue_indirect_dma source(%dma_start3A_31 : memref<10000x128xf32, #tpu.memory_space<hbm>>) target(%dma_start3A_25 : memref<80x128xf32, #tpu.memory_space<vmem>>) offsets(%dma_start3A_28 : memref<80xi32, #tpu.memory_space<vmem>>) semaphore(%dma_start3A_33 : memref<!tpu.dma_semaphore, #tpu.memory_space<semaphore_mem>>)
      %dma_start3A_34 = arith.constant 1 : i32
      %dma_start3A_35 = arith.constant 1 : i32
      %dma_start3A_36 = arith.constant 80 : i32
      %dma_start3A_37 = arith.constant 0 : i32
      %dma_start3A_38 = tpu.memref_slice %arg8[%dma_start3A_36, %dma_start3A_37] : memref<240x128xf32, #tpu.memory_space<vmem>> -> memref<80x128xf32, #tpu.memory_space<vmem>>
      %dma_start3A_39 = arith.constant 0 : i32
      %dma_start3A_40 = tpu.memref_slice %arg6[%dma_start3A_34, %dma_start3A_39] : memref<25x80xi32, #tpu.memory_space<vmem>> -> memref<1x80xi32, #tpu.memory_space<vmem>>
      %dma_start3A_41 = tpu.memref_squeeze %dma_start3A_40 : memref<1x80xi32, #tpu.memory_space<vmem>> -> memref<80xi32, #tpu.memory_space<vmem>>
      %dma_start3A_42 = arith.constant 0 : i32
      %dma_start3A_43 = arith.constant 0 : i32
      %dma_start3A_44 = tpu.memref_slice %arg2[%dma_start3A_42, %dma_start3A_43] : memref<10000x128xf32, #tpu.memory_space<hbm>> -> memref<10000x128xf32, #tpu.memory_space<hbm>>
      %dma_start3A_45 = tpu.memref_slice %arg10[%dma_start3A_35] : memref<3x!tpu.dma_semaphore, #tpu.memory_space<semaphore_mem>> -> memref<1x!tpu.dma_semaphore, #tpu.memory_space<semaphore_mem>>
      %dma_start3A_46 = tpu.memref_squeeze %dma_start3A_45 : memref<1x!tpu.dma_semaphore, #tpu.memory_space<semaphore_mem>> -> memref<!tpu.dma_semaphore, #tpu.memory_space<semaphore_mem>>
      tpu.enqueue_indirect_dma source(%dma_start3A_44 : memref<10000x128xf32, #tpu.memory_space<hbm>>) target(%dma_start3A_38 : memref<80x128xf32, #tpu.memory_space<vmem>>) offsets(%dma_start3A_41 : memref<80xi32, #tpu.memory_space<vmem>>) semaphore(%dma_start3A_46 : memref<!tpu.dma_semaphore, #tpu.memory_space<semaphore_mem>>)
      %scan3A_47 = arith.constant 0 : i32
      %scan3A_48 = arith.constant 0 : i32
      %scan3A_49 = arith.constant 25 : i32
      %scan3A_50 = arith.addi %scan3A_48, %scan3A_49 : i32
      %scan3A_51 = arith.constant 1 : i32
      scf.for %scan3A_53 = %scan3A_48 to %scan3A_50 step %scan3A_51  : i32 {
        %add3A_54 = arith.constant 2 : i32
        %add3A_55 = arith.addi %scan3A_53, %add3A_54 : i32
        %lt3A = arith.constant 25 : i32
        %lt3A_56 = arith.cmpi slt, %add3A_55, %lt3A : i32
        %convert_element_type3A_57 = arith.extui %lt3A_56 : i1 to i32
        %cond3A_58 = arith.constant 0 : i32
        %cond3A_59 = arith.cmpi ne, %convert_element_type3A_57, %cond3A_58 : i32
        scf.if %cond3A_59 {
          %add3A_102 = arith.constant 2 : i32
          %add3A_103 = arith.addi %scan3A_53, %add3A_102 : i32
          %add3A_104 = arith.constant 2 : i32
          %add3A_105 = arith.addi %scan3A_53, %add3A_104 : i32
          %jit3A_106 = arith.constant 3 : i32
          %eq3A_107 = arith.constant 0 : i32
          %eq3A_108 = arith.cmpi eq, %jit3A_106, %eq3A_107 : i32
          %jit3A_109 = arith.constant 1 : i32
          %select_n3A_110 = arith.select %eq3A_108, %jit3A_109, %jit3A_106 : i32
          %rem3A_111 = arith.remsi %add3A_105, %select_n3A_110 : i32
          %ne3A_112 = arith.constant 0 : i32
          %ne3A_113 = arith.cmpi ne, %rem3A_111, %ne3A_112 : i32
          %lt3A_114 = arith.constant 0 : i32
          %lt3A_115 = arith.cmpi slt, %rem3A_111, %lt3A_114 : i32
          %lt3A_116 = arith.constant 0 : i32
          %lt3A_117 = arith.cmpi slt, %select_n3A_110, %lt3A_116 : i32
          %ne3A_118 = arith.xori %lt3A_115, %lt3A_117 : i1
          %and3A_119 = arith.andi %ne3A_118, %ne3A_113 : i1
          %add3A_120 = arith.addi %rem3A_111, %select_n3A_110 : i32
          %select_n3A_121 = arith.select %and3A_119, %add3A_120, %rem3A_111 : i32
          %mul3A_122 = arith.constant 80 : i32
          %mul3A_123 = arith.muli %select_n3A_121, %mul3A_122 : i32
          %dma_start3A_124 = arith.constant 0 : i32
          %dma_start3A_125 = tpu.memref_slice %arg8[%mul3A_123, %dma_start3A_124] : memref<240x128xf32, #tpu.memory_space<vmem>> -> memref<80x128xf32, #tpu.memory_space<vmem>>
          %dma_start3A_126 = arith.constant 0 : i32
          %dma_start3A_127 = tpu.memref_slice %arg6[%add3A_103, %dma_start3A_126] : memref<25x80xi32, #tpu.memory_space<vmem>> -> memref<1x80xi32, #tpu.memory_space<vmem>>
          %dma_start3A_128 = tpu.memref_squeeze %dma_start3A_127 : memref<1x80xi32, #tpu.memory_space<vmem>> -> memref<80xi32, #tpu.memory_space<vmem>>
          %dma_start3A_129 = arith.constant 0 : i32
          %dma_start3A_130 = arith.constant 0 : i32
          %dma_start3A_131 = tpu.memref_slice %arg2[%dma_start3A_129, %dma_start3A_130] : memref<10000x128xf32, #tpu.memory_space<hbm>> -> memref<10000x128xf32, #tpu.memory_space<hbm>>
          %dma_start3A_132 = tpu.memref_slice %arg10[%select_n3A_121] : memref<3x!tpu.dma_semaphore, #tpu.memory_space<semaphore_mem>> -> memref<1x!tpu.dma_semaphore, #tpu.memory_space<semaphore_mem>>
          %dma_start3A_133 = tpu.memref_squeeze %dma_start3A_132 : memref<1x!tpu.dma_semaphore, #tpu.memory_space<semaphore_mem>> -> memref<!tpu.dma_semaphore, #tpu.memory_space<semaphore_mem>>
          tpu.enqueue_indirect_dma source(%dma_start3A_131 : memref<10000x128xf32, #tpu.memory_space<hbm>>) target(%dma_start3A_125 : memref<80x128xf32, #tpu.memory_space<vmem>>) offsets(%dma_start3A_128 : memref<80xi32, #tpu.memory_space<vmem>>) semaphore(%dma_start3A_133 : memref<!tpu.dma_semaphore, #tpu.memory_space<semaphore_mem>>)
        } else {
        }
        %jit3A = arith.constant 3 : i32
        %eq3A_60 = arith.constant 0 : i32
        %eq3A_61 = arith.cmpi eq, %jit3A, %eq3A_60 : i32
        %jit3A_62 = arith.constant 1 : i32
        %select_n3A = arith.select %eq3A_61, %jit3A_62, %jit3A : i32
        %rem3A = arith.remsi %scan3A_53, %select_n3A : i32
        %ne3A_63 = arith.constant 0 : i32
        %ne3A_64 = arith.cmpi ne, %rem3A, %ne3A_63 : i32
        %lt3A_65 = arith.constant 0 : i32
        %lt3A_66 = arith.cmpi slt, %rem3A, %lt3A_65 : i32
        %lt3A_67 = arith.constant 0 : i32
        %lt3A_68 = arith.cmpi slt, %select_n3A, %lt3A_67 : i32
        %ne3A_69 = arith.xori %lt3A_66, %lt3A_68 : i1
        %and3A = arith.andi %ne3A_69, %ne3A_64 : i1
        %add3A_70 = arith.addi %rem3A, %select_n3A : i32
        %select_n3A_71 = arith.select %and3A, %add3A_70, %rem3A : i32
        %mul3A_72 = arith.constant 80 : i32
        %mul3A_73 = arith.muli %select_n3A_71, %mul3A_72 : i32
        %dma_wait3A = arith.constant 0 : i32
        %dma_wait3A_74 = arith.constant 0 : i32
        %dma_wait3A_75 = tpu.memref_slice %arg8[%mul3A_73, %dma_wait3A_74] : memref<240x128xf32, #tpu.memory_space<vmem>> -> memref<80x128xf32, #tpu.memory_space<vmem>>
        %dma_wait3A_76 = arith.constant 0 : i32
        %dma_wait3A_77 = tpu.memref_slice %arg6[%dma_wait3A, %dma_wait3A_76] : memref<25x80xi32, #tpu.memory_space<vmem>> -> memref<1x80xi32, #tpu.memory_space<vmem>>
        %dma_wait3A_78 = tpu.memref_squeeze %dma_wait3A_77 : memref<1x80xi32, #tpu.memory_space<vmem>> -> memref<80xi32, #tpu.memory_space<vmem>>
        %dma_wait3A_79 = arith.constant 0 : i32
        %dma_wait3A_80 = arith.constant 0 : i32
        %dma_wait3A_81 = tpu.memref_slice %arg2[%dma_wait3A_79, %dma_wait3A_80] : memref<10000x128xf32, #tpu.memory_space<hbm>> -> memref<10000x128xf32, #tpu.memory_space<hbm>>
        %dma_wait3A_82 = tpu.memref_slice %arg10[%select_n3A_71] : memref<3x!tpu.dma_semaphore, #tpu.memory_space<semaphore_mem>> -> memref<1x!tpu.dma_semaphore, #tpu.memory_space<semaphore_mem>>
        %dma_wait3A_83 = tpu.memref_squeeze %dma_wait3A_82 : memref<1x!tpu.dma_semaphore, #tpu.memory_space<semaphore_mem>> -> memref<!tpu.dma_semaphore, #tpu.memory_space<semaphore_mem>>
        tpu.wait_indirect_dma semaphore(%dma_wait3A_83 : memref<!tpu.dma_semaphore, #tpu.memory_space<semaphore_mem>>) src(%dma_wait3A_81 : memref<10000x128xf32, #tpu.memory_space<hbm>>) dst(%dma_wait3A_75 : memref<80x128xf32, #tpu.memory_space<vmem>>)
        %jit3A_84 = arith.constant 3 : i32
        %eq3A_85 = arith.constant 0 : i32
        %eq3A_86 = arith.cmpi eq, %jit3A_84, %eq3A_85 : i32
        %jit3A_87 = arith.constant 1 : i32
        %select_n3A_88 = arith.select %eq3A_86, %jit3A_87, %jit3A_84 : i32
        %rem3A_89 = arith.remsi %scan3A_53, %select_n3A_88 : i32
        %ne3A_90 = arith.constant 0 : i32
        %ne3A_91 = arith.cmpi ne, %rem3A_89, %ne3A_90 : i32
        %lt3A_92 = arith.constant 0 : i32
        %lt3A_93 = arith.cmpi slt, %rem3A_89, %lt3A_92 : i32
        %lt3A_94 = arith.constant 0 : i32
        %lt3A_95 = arith.cmpi slt, %select_n3A_88, %lt3A_94 : i32
        %ne3A_96 = arith.xori %lt3A_93, %lt3A_95 : i1
        %and3A_97 = arith.andi %ne3A_96, %ne3A_91 : i1
        %add3A_98 = arith.addi %rem3A_89, %select_n3A_88 : i32
        %select_n3A_99 = arith.select %and3A_97, %add3A_98, %rem3A_89 : i32
        %mul3A_100 = arith.constant 80 : i32
        %mul3A_101 = arith.muli %select_n3A_99, %mul3A_100 : i32
        "tpu.region"() ({
          %run_scoped3A_102 = tpu.sem_alloc : memref<!tpu.dma_semaphore, #tpu.memory_space<semaphore_mem>>
          %dma_start3A_103 = arith.constant 0 : i32
          %dma_start3A_104 = tpu.memref_slice %arg8[%mul3A_101, %dma_start3A_103] : memref<240x128xf32, #tpu.memory_space<vmem>> -> memref<80x128xf32, #tpu.memory_space<vmem>>
          %dma_start3A_105 = arith.constant 0 : i32
          %dma_start3A_106 = tpu.memref_slice %arg7[%scan3A_53, %dma_start3A_105] : memref<25x80xi32, #tpu.memory_space<vmem>> -> memref<1x80xi32, #tpu.memory_space<vmem>>
          %dma_start3A_107 = tpu.memref_squeeze %dma_start3A_106 : memref<1x80xi32, #tpu.memory_space<vmem>> -> memref<80xi32, #tpu.memory_space<vmem>>
          %dma_start3A_108 = arith.constant 0 : i32
          %dma_start3A_109 = arith.constant 0 : i32
          %dma_start3A_110 = tpu.memref_slice %arg9[%dma_start3A_108, %dma_start3A_109] : memref<10000x128xf32, #tpu.memory_space<vmem_shared>> -> memref<10000x128xf32, #tpu.memory_space<vmem_shared>>
          tpu.enqueue_indirect_dma source(%dma_start3A_104 : memref<80x128xf32, #tpu.memory_space<vmem>>) target(%dma_start3A_110 : memref<10000x128xf32, #tpu.memory_space<vmem_shared>>) offsets(%dma_start3A_107 : memref<80xi32, #tpu.memory_space<vmem>>) semaphore(%run_scoped3A_102 : memref<!tpu.dma_semaphore, #tpu.memory_space<semaphore_mem>>) {add = true}
          %dma_wait3A_111 = arith.constant 0 : i32
          %dma_wait3A_112 = tpu.memref_slice %arg8[%mul3A_101, %dma_wait3A_111] : memref<240x128xf32, #tpu.memory_space<vmem>> -> memref<80x128xf32, #tpu.memory_space<vmem>>
          %dma_wait3A_113 = arith.constant 0 : i32
          %dma_wait3A_114 = tpu.memref_slice %arg7[%scan3A_53, %dma_wait3A_113] : memref<25x80xi32, #tpu.memory_space<vmem>> -> memref<1x80xi32, #tpu.memory_space<vmem>>
          %dma_wait3A_115 = tpu.memref_squeeze %dma_wait3A_114 : memref<1x80xi32, #tpu.memory_space<vmem>> -> memref<80xi32, #tpu.memory_space<vmem>>
          %dma_wait3A_116 = arith.constant 0 : i32
          %dma_wait3A_117 = arith.constant 0 : i32
          %dma_wait3A_118 = tpu.memref_slice %arg9[%dma_wait3A_116, %dma_wait3A_117] : memref<10000x128xf32, #tpu.memory_space<vmem_shared>> -> memref<10000x128xf32, #tpu.memory_space<vmem_shared>>
          tpu.wait_indirect_dma semaphore(%run_scoped3A_102 : memref<!tpu.dma_semaphore, #tpu.memory_space<semaphore_mem>>) src(%dma_wait3A_112 : memref<80x128xf32, #tpu.memory_space<vmem>>) dst(%dma_wait3A_118 : memref<10000x128xf32, #tpu.memory_space<vmem_shared>>)
          tpu.yield
        }) : () -> ()
      }
      %scan3A_52 = arith.constant 25 : i32
    }
    %scan3A_13 = arith.constant 5 : i32
    %barrier3A_14 = arith.constant 0 : index
    tpu.barrier barrier_id(%barrier3A_14)
    "tpu.region"() ({
      %run_scoped3A = tpu.sem_alloc : memref<!tpu.dma_semaphore, #tpu.memory_space<semaphore_mem>>
      %dma_start3A = arith.constant 0 : i32
      %dma_start3A_20 = tpu.memref_slice %arg5[%arg0, %mul3A_2, %dma_start3A] : memref<2x10000x128xf32, #tpu.memory_space<hbm>> -> memref<1x624x128xf32, #tpu.memory_space<hbm>>
      %dma_start3A_21 = tpu.memref_squeeze %dma_start3A_20 : memref<1x624x128xf32, #tpu.memory_space<hbm>> -> memref<624x128xf32, #tpu.memory_space<hbm>>
      %dma_start3A_22 = arith.constant 0 : i32
      %dma_start3A_23 = tpu.memref_slice %arg9[%mul3A_2, %dma_start3A_22] : memref<10000x128xf32, #tpu.memory_space<vmem_shared>> -> memref<624x128xf32, #tpu.memory_space<vmem_shared>>
      tpu.enqueue_dma source(%dma_start3A_23 : memref<624x128xf32, #tpu.memory_space<vmem_shared>>) target(%dma_start3A_21 : memref<624x128xf32, #tpu.memory_space<hbm>>) target_semaphore(%run_scoped3A : memref<!tpu.dma_semaphore, #tpu.memory_space<semaphore_mem>>)
      %dma_wait3A = arith.constant 0 : i32
      %dma_wait3A_24 = tpu.memref_slice %arg5[%arg0, %mul3A_2, %dma_wait3A] : memref<2x10000x128xf32, #tpu.memory_space<hbm>> -> memref<1x624x128xf32, #tpu.memory_space<hbm>>
      %dma_wait3A_25 = tpu.memref_squeeze %dma_wait3A_24 : memref<1x624x128xf32, #tpu.memory_space<hbm>> -> memref<624x128xf32, #tpu.memory_space<hbm>>
      %dma_wait3A_26 = arith.constant 0 : i32
      %dma_wait3A_27 = tpu.memref_slice %arg9[%mul3A_2, %dma_wait3A_26] : memref<10000x128xf32, #tpu.memory_space<vmem_shared>> -> memref<624x128xf32, #tpu.memory_space<vmem_shared>>
      tpu.wait_dma2 semaphore(%run_scoped3A : memref<!tpu.dma_semaphore, #tpu.memory_space<semaphore_mem>>) src(%dma_wait3A_27 : memref<624x128xf32, #tpu.memory_space<vmem_shared>>) dst(%dma_wait3A_25 : memref<624x128xf32, #tpu.memory_space<hbm>>)
      tpu.yield
    }) : () -> ()
    %eq3A_15 = arith.constant 15 : i32
    %eq3A_16 = arith.cmpi eq, %arg1, %eq3A_15 : i32
    %convert_element_type3A_17 = arith.extui %eq3A_16 : i1 to i32
    %cond3A_18 = arith.constant 0 : i32
    %cond3A_19 = arith.cmpi ne, %convert_element_type3A_17, %cond3A_18 : i32
    scf.if %cond3A_19 {
      "tpu.region"() ({
        %run_scoped3A = tpu.sem_alloc : memref<!tpu.dma_semaphore, #tpu.memory_space<semaphore_mem>>
        %dma_start3A = arith.constant 9984 : i32
        %dma_start3A_20 = arith.constant 0 : i32
        %dma_start3A_21 = tpu.memref_slice %arg5[%arg0, %dma_start3A, %dma_start3A_20] : memref<2x10000x128xf32, #tpu.memory_space<hbm>> -> memref<1x16x128xf32, #tpu.memory_space<hbm>>
        %dma_start3A_22 = tpu.memref_squeeze %dma_start3A_21 : memref<1x16x128xf32, #tpu.memory_space<hbm>> -> memref<16x128xf32, #tpu.memory_space<hbm>>
        %dma_start3A_23 = arith.constant 9984 : i32
        %dma_start3A_24 = arith.constant 0 : i32
        %dma_start3A_25 = tpu.memref_slice %arg9[%dma_start3A_23, %dma_start3A_24] : memref<10000x128xf32, #tpu.memory_space<vmem_shared>> -> memref<16x128xf32, #tpu.memory_space<vmem_shared>>
        tpu.enqueue_dma source(%dma_start3A_25 : memref<16x128xf32, #tpu.memory_space<vmem_shared>>) target(%dma_start3A_22 : memref<16x128xf32, #tpu.memory_space<hbm>>) target_semaphore(%run_scoped3A : memref<!tpu.dma_semaphore, #tpu.memory_space<semaphore_mem>>)
        %dma_wait3A = arith.constant 9984 : i32
        %dma_wait3A_26 = arith.constant 0 : i32
        %dma_wait3A_27 = tpu.memref_slice %arg5[%arg0, %dma_wait3A, %dma_wait3A_26] : memref<2x10000x128xf32, #tpu.memory_space<hbm>> -> memref<1x16x128xf32, #tpu.memory_space<hbm>>
        %dma_wait3A_28 = tpu.memref_squeeze %dma_wait3A_27 : memref<1x16x128xf32, #tpu.memory_space<hbm>> -> memref<16x128xf32, #tpu.memory_space<hbm>>
        %dma_wait3A_29 = arith.constant 9984 : i32
        %dma_wait3A_30 = arith.constant 0 : i32
        %dma_wait3A_31 = tpu.memref_slice %arg9[%dma_wait3A_29, %dma_wait3A_30] : memref<10000x128xf32, #tpu.memory_space<vmem_shared>> -> memref<16x128xf32, #tpu.memory_space<vmem_shared>>
        tpu.wait_dma2 semaphore(%run_scoped3A : memref<!tpu.dma_semaphore, #tpu.memory_space<semaphore_mem>>) src(%dma_wait3A_31 : memref<16x128xf32, #tpu.memory_space<vmem_shared>>) dst(%dma_wait3A_28 : memref<16x128xf32, #tpu.memory_space<hbm>>)
        tpu.yield
      }) : () -> ()
    } else {
    }
    return
  }
}

module attributes {stable_mosaic.version = 14 : i64} {
  func.func @_k2_body(%arg0: i32, %arg1: memref<5000x128xf32, #tpu.memory_space<vmem>>, %arg2: memref<128x128xf32, #tpu.memory_space<vmem>>, %arg3: memref<1x128xf32, #tpu.memory_space<vmem>>, %arg4: memref<5000x128xf32, #tpu.memory_space<vmem>>) attributes {dimension_semantics = [#tpu.dimension_semantics<arbitrary>], iteration_bounds = array<i64: 2>, scalar_prefetch = 0 : i64, scratch_operands = 0 : i64, tpu.core_type = #tpu.core_type<tc>, window_params = [{transform_indices = @transform_0, window_bounds = array<i64: 5000, 128>}, {pipeline_mode = #tpu.pipeline_mode<synchronous>, transform_indices = @transform_1, window_bounds = array<i64: 128, 128>}, {pipeline_mode = #tpu.pipeline_mode<synchronous>, transform_indices = @transform_2, window_bounds = array<i64: 1, 128>}, {transform_indices = @transform_3, window_bounds = array<i64: 5000, 128>}]} {
    %get3A = arith.constant 0 : index
    %get3A_0 = arith.constant 0 : index
    %get3A_1 = vector.load %arg1[%get3A, %get3A_0] : memref<5000x128xf32, #tpu.memory_space<vmem>>, vector<5000x128xf32>
    %get3A_2 = arith.constant 0 : index
    %get3A_3 = arith.constant 0 : index
    %get3A_4 = vector.load %arg2[%get3A_2, %get3A_3] : memref<128x128xf32, #tpu.memory_space<vmem>>, vector<128x128xf32>
    %dot_general3A = arith.constant dense<0.000000e+00> : vector<5000x128xf32>
    %dot_general3A_5 = tpu.matmul %get3A_1, %get3A_4, %dot_general3A {dimension_numbers = #tpu.dot_dimension_numbers<[1], [0], [0], [1], [0, 0, 1, 1], [], []>, transpose_lhs_hint = false} : vector<5000x128xf32>, vector<128x128xf32>, vector<5000x128xf32> -> vector<5000x128xf32>
    %get3A_6 = arith.constant 0 : index
    %get3A_7 = arith.constant 0 : index
    %get3A_8 = vector.load %arg3[%get3A_6, %get3A_7] : memref<1x128xf32, #tpu.memory_space<vmem>>, vector<1x128xf32>
    %add3A = vector.broadcast %get3A_8 : vector<1x128xf32> to vector<5000x128xf32>
    %add3A_9 = arith.addf %dot_general3A_5, %add3A : vector<5000x128xf32>
    %swap3A = arith.constant 0 : index
    %swap3A_10 = arith.constant 0 : index
    %swap3A_11 = vector.load %arg4[%swap3A, %swap3A_10] : memref<5000x128xf32, #tpu.memory_space<vmem>>, vector<5000x128xf32>
    tpu.vector_store %arg4[%swap3A, %swap3A_10], %add3A_9 {strides = array<i32>} : memref<5000x128xf32, #tpu.memory_space<vmem>>, vector<5000x128xf32>,
    return
  }
  func.func @transform_0(%arg0: i32) -> (i32, i32) {
    %c0_i32 = arith.constant 0 : i32
    %c0_i32_0 = arith.constant 0 : i32
    return %arg0, %c0_i32 : i32, i32
  }
  func.func @transform_1(%arg0: i32) -> (i32, i32) {
    %c0_i32 = arith.constant 0 : i32
    %c0_i32_0 = arith.constant 0 : i32
    %c0_i32_1 = arith.constant 0 : i32
    return %c0_i32, %c0_i32_0 : i32, i32
  }
  func.func @transform_2(%arg0: i32) -> (i32, i32) {
    %c0_i32 = arith.constant 0 : i32
    %c0_i32_0 = arith.constant 0 : i32
    %c0_i32_1 = arith.constant 0 : i32
    return %c0_i32, %c0_i32_0 : i32, i32
  }
  func.func @transform_3(%arg0: i32) -> (i32, i32) {
    %c0_i32 = arith.constant 0 : i32
    %c0_i32_0 = arith.constant 0 : i32
    return %arg0, %c0_i32 : i32, i32
  }
}

module attributes {stable_mosaic.version = 14 : i64} {
  func.func @_k1_body(%arg0: i32, %arg1: memref<5000x128xf32, #tpu.memory_space<vmem>>, %arg2: memref<128x128xf32, #tpu.memory_space<vmem>>, %arg3: memref<1x128xf32, #tpu.memory_space<vmem>>, %arg4: memref<1x128xf32, #tpu.memory_space<vmem>>, %arg5: memref<1x128xf32, #tpu.memory_space<vmem>>, %arg6: memref<128x128xf32, #tpu.memory_space<vmem>>, %arg7: memref<1x128xf32, #tpu.memory_space<vmem>>, %arg8: memref<128x128xf32, #tpu.memory_space<vmem>>, %arg9: memref<1x128xf32, #tpu.memory_space<vmem>>) attributes {dimension_semantics = [#tpu.dimension_semantics<arbitrary>], iteration_bounds = array<i64: 2>, scalar_prefetch = 0 : i64, scratch_operands = 2 : i64, tpu.core_type = #tpu.core_type<tc>, window_params = [{transform_indices = @transform_0, window_bounds = array<i64: 5000, 128>}, {pipeline_mode = #tpu.pipeline_mode<synchronous>, transform_indices = @transform_1, window_bounds = array<i64: 128, 128>}, {pipeline_mode = #tpu.pipeline_mode<synchronous>, transform_indices = @transform_2, window_bounds = array<i64: 1, 128>}, {pipeline_mode = #tpu.pipeline_mode<synchronous>, transform_indices = @transform_3, window_bounds = array<i64: 1, 128>}, {pipeline_mode = #tpu.pipeline_mode<synchronous>, transform_indices = @transform_4, window_bounds = array<i64: 1, 128>}, {pipeline_mode = #tpu.pipeline_mode<synchronous>, transform_indices = @transform_5, window_bounds = array<i64: 128, 128>}, {pipeline_mode = #tpu.pipeline_mode<synchronous>, transform_indices = @transform_6, window_bounds = array<i64: 1, 128>}]} {
    %eq3A = arith.constant 0 : i32
    %eq3A_0 = arith.cmpi eq, %arg0, %eq3A : i32
    %convert_element_type3A = arith.extui %eq3A_0 : i1 to i32
    %cond3A = arith.constant 0 : i32
    %cond3A_1 = arith.cmpi ne, %convert_element_type3A, %cond3A : i32
    scf.if %cond3A_1 {
      %broadcast_in_dim3A_23 = arith.constant 0.000000e+00 : f32
      %broadcast_in_dim3A_24 = vector.broadcast %broadcast_in_dim3A_23 : f32 to vector<128x128xf32>
      %swap3A_25 = arith.constant 0 : index
      %swap3A_26 = arith.constant 0 : index
      %swap3A_27 = vector.load %arg8[%swap3A_25, %swap3A_26] : memref<128x128xf32, #tpu.memory_space<vmem>>, vector<128x128xf32>
      tpu.vector_store %arg8[%swap3A_25, %swap3A_26], %broadcast_in_dim3A_24 {strides = array<i32>} : memref<128x128xf32, #tpu.memory_space<vmem>>, vector<128x128xf32>,
      %broadcast_in_dim3A_28 = arith.constant 0.000000e+00 : f32
      %broadcast_in_dim3A_29 = vector.broadcast %broadcast_in_dim3A_28 : f32 to vector<1x128xf32>
      %swap3A_30 = arith.constant 0 : index
      %swap3A_31 = arith.constant 0 : index
      %swap3A_32 = vector.load %arg9[%swap3A_30, %swap3A_31] : memref<1x128xf32, #tpu.memory_space<vmem>>, vector<1x128xf32>
      tpu.vector_store %arg9[%swap3A_30, %swap3A_31], %broadcast_in_dim3A_29 {strides = array<i32>} : memref<1x128xf32, #tpu.memory_space<vmem>>, vector<1x128xf32>,
    } else {
    }
    %get3A = arith.constant 0 : index
    %get3A_2 = arith.constant 0 : index
    %get3A_3 = vector.load %arg1[%get3A, %get3A_2] : memref<5000x128xf32, #tpu.memory_space<vmem>>, vector<5000x128xf32>
    %get3A_4 = arith.constant 0 : index
    %get3A_5 = arith.constant 0 : index
    %get3A_6 = vector.load %arg8[%get3A_4, %get3A_5] : memref<128x128xf32, #tpu.memory_space<vmem>>, vector<128x128xf32>
    %dot_general3A = arith.constant dense<0.000000e+00> : vector<128x128xf32>
    %dot_general3A_7 = tpu.matmul %get3A_3, %get3A_3, %dot_general3A {dimension_numbers = #tpu.dot_dimension_numbers<[0], [0], [1], [1], [0, 1, 1, 1], [], []>, transpose_lhs_hint = false} : vector<5000x128xf32>, vector<5000x128xf32>, vector<128x128xf32> -> vector<128x128xf32>
    %add3A = arith.addf %get3A_6, %dot_general3A_7 : vector<128x128xf32>
    %swap3A = arith.constant 0 : index
    %swap3A_8 = arith.constant 0 : index
    %swap3A_9 = vector.load %arg8[%swap3A, %swap3A_8] : memref<128x128xf32, #tpu.memory_space<vmem>>, vector<128x128xf32>
    tpu.vector_store %arg8[%swap3A, %swap3A_8], %add3A {strides = array<i32>} : memref<128x128xf32, #tpu.memory_space<vmem>>, vector<128x128xf32>,
    %get3A_10 = arith.constant 0 : index
    %get3A_11 = arith.constant 0 : index
    %get3A_12 = vector.load %arg9[%get3A_10, %get3A_11] : memref<1x128xf32, #tpu.memory_space<vmem>>, vector<1x128xf32>
    %reduce_sum3A = arith.constant dense<0.000000e+00> : vector<128xf32>
    %reduce_sum3A_13 = vector.multi_reduction <add>, %get3A_3, %reduce_sum3A [0] : vector<5000x128xf32> to vector<128xf32>
    %broadcast_in_dim3A = vector.shape_cast %reduce_sum3A_13 : vector<128xf32> to vector<1x128xf32>
    %add3A_14 = arith.addf %get3A_12, %broadcast_in_dim3A : vector<1x128xf32>
    %swap3A_15 = arith.constant 0 : index
    %swap3A_16 = arith.constant 0 : index
    %swap3A_17 = vector.load %arg9[%swap3A_15, %swap3A_16] : memref<1x128xf32, #tpu.memory_space<vmem>>, vector<1x128xf32>
    tpu.vector_store %arg9[%swap3A_15, %swap3A_16], %add3A_14 {strides = array<i32>} : memref<1x128xf32, #tpu.memory_space<vmem>>, vector<1x128xf32>,
    %eq3A_18 = arith.constant 1 : i32
    %eq3A_19 = arith.cmpi eq, %arg0, %eq3A_18 : i32
    %convert_element_type3A_20 = arith.extui %eq3A_19 : i1 to i32
    %cond3A_21 = arith.constant 0 : i32
    %cond3A_22 = arith.cmpi ne, %convert_element_type3A_20, %cond3A_21 : i32
    scf.if %cond3A_22 {
      %get3A_23 = arith.constant 0 : index
      %get3A_24 = arith.constant 0 : index
      %get3A_25 = vector.load %arg8[%get3A_23, %get3A_24] : memref<128x128xf32, #tpu.memory_space<vmem>>, vector<128x128xf32>
      %get3A_26 = arith.constant 0 : index
      %get3A_27 = arith.constant 0 : index
      %get3A_28 = vector.load %arg9[%get3A_26, %get3A_27] : memref<1x128xf32, #tpu.memory_space<vmem>>, vector<1x128xf32>
      %get3A_29 = arith.constant 0 : index
      %get3A_30 = arith.constant 0 : index
      %get3A_31 = vector.load %arg2[%get3A_29, %get3A_30] : memref<128x128xf32, #tpu.memory_space<vmem>>, vector<128x128xf32>
      %get3A_32 = arith.constant 0 : index
      %get3A_33 = arith.constant 0 : index
      %get3A_34 = vector.load %arg3[%get3A_32, %get3A_33] : memref<1x128xf32, #tpu.memory_space<vmem>>, vector<1x128xf32>
      %get3A_35 = arith.constant 0 : index
      %get3A_36 = arith.constant 0 : index
      %get3A_37 = vector.load %arg4[%get3A_35, %get3A_36] : memref<1x128xf32, #tpu.memory_space<vmem>>, vector<1x128xf32>
      %get3A_38 = arith.constant 0 : index
      %get3A_39 = arith.constant 0 : index
      %get3A_40 = vector.load %arg5[%get3A_38, %get3A_39] : memref<1x128xf32, #tpu.memory_space<vmem>>, vector<1x128xf32>
      %mul3A = arith.constant 9.99999974E-5 : f32
      %mul3A_41 = vector.broadcast %mul3A : f32 to vector<1x128xf32>
      %mul3A_42 = arith.mulf %get3A_28, %mul3A_41 : vector<1x128xf32>
      %dot_general3A_43 = arith.constant dense<0.000000e+00> : vector<1x128xf32>
      %dot_general3A_44 = tpu.matmul %mul3A_42, %get3A_31, %dot_general3A_43 {dimension_numbers = #tpu.dot_dimension_numbers<[1], [0], [0], [1], [0, 0, 1, 1], [], []>, transpose_lhs_hint = false} : vector<1x128xf32>, vector<128x128xf32>, vector<1x128xf32> -> vector<1x128xf32>
      %add3A_45 = arith.addf %dot_general3A_44, %get3A_34 : vector<1x128xf32>
      %dot_general3A_46 = arith.constant dense<0.000000e+00> : vector<128x128xf32>
      %dot_general3A_47 = tpu.matmul %get3A_25, %get3A_31, %dot_general3A_46 {dimension_numbers = #tpu.dot_dimension_numbers<[1], [0], [0], [1], [0, 0, 1, 1], [], []>, transpose_lhs_hint = false} : vector<128x128xf32>, vector<128x128xf32>, vector<128x128xf32> -> vector<128x128xf32>
      %mul3A_48 = arith.constant 9.99999974E-5 : f32
      %mul3A_49 = vector.broadcast %mul3A_48 : f32 to vector<128x128xf32>
      %mul3A_50 = arith.mulf %dot_general3A_47, %mul3A_49 : vector<128x128xf32>
      %mul3A_51 = arith.mulf %get3A_31, %mul3A_50 : vector<128x128xf32>
      %reduce_sum3A_52 = arith.constant dense<0.000000e+00> : vector<128xf32>
      %reduce_sum3A_53 = vector.multi_reduction <add>, %mul3A_51, %reduce_sum3A_52 [0] : vector<128x128xf32> to vector<128xf32>
      %broadcast_in_dim3A_54 = vector.shape_cast %reduce_sum3A_53 : vector<128xf32> to vector<1x128xf32>
      %mul3A_55 = arith.mulf %dot_general3A_44, %dot_general3A_44 : vector<1x128xf32>
      %sub3A = arith.subf %broadcast_in_dim3A_54, %mul3A_55 : vector<1x128xf32>
      %add3A_56 = arith.constant 9.99999974E-6 : f32
      %add3A_57 = vector.broadcast %add3A_56 : f32 to vector<1x128xf32>
      %add3A_58 = arith.addf %sub3A, %add3A_57 : vector<1x128xf32>
      %rsqrt3A = math.rsqrt %add3A_58 : vector<1x128xf32>
      %mul3A_59 = arith.mulf %get3A_37, %rsqrt3A : vector<1x128xf32>
      %mul3A_60 = vector.broadcast %mul3A_59 : vector<1x128xf32> to vector<128x128xf32>
      %mul3A_61 = arith.mulf %get3A_31, %mul3A_60 : vector<128x128xf32>
      %sub3A_62 = arith.subf %get3A_34, %add3A_45 : vector<1x128xf32>
      %mul3A_63 = arith.mulf %sub3A_62, %mul3A_59 : vector<1x128xf32>
      %add3A_64 = arith.addf %mul3A_63, %get3A_40 : vector<1x128xf32>
      %swap3A_65 = arith.constant 0 : index
      %swap3A_66 = arith.constant 0 : index
      %swap3A_67 = vector.load %arg6[%swap3A_65, %swap3A_66] : memref<128x128xf32, #tpu.memory_space<vmem>>, vector<128x128xf32>
      tpu.vector_store %arg6[%swap3A_65, %swap3A_66], %mul3A_61 {strides = array<i32>} : memref<128x128xf32, #tpu.memory_space<vmem>>, vector<128x128xf32>,
      %swap3A_68 = arith.constant 0 : index
      %swap3A_69 = arith.constant 0 : index
      %swap3A_70 = vector.load %arg7[%swap3A_68, %swap3A_69] : memref<1x128xf32, #tpu.memory_space<vmem>>, vector<1x128xf32>
      tpu.vector_store %arg7[%swap3A_68, %swap3A_69], %add3A_64 {strides = array<i32>} : memref<1x128xf32, #tpu.memory_space<vmem>>, vector<1x128xf32>,
    } else {
    }
    return
  }
  func.func @transform_0(%arg0: i32) -> (i32, i32) {
    %c0_i32 = arith.constant 0 : i32
    %c0_i32_0 = arith.constant 0 : i32
    return %arg0, %c0_i32 : i32, i32
  }
  func.func @transform_1(%arg0: i32) -> (i32, i32) {
    %c0_i32 = arith.constant 0 : i32
    %c0_i32_0 = arith.constant 0 : i32
    %c0_i32_1 = arith.constant 0 : i32
    return %c0_i32, %c0_i32_0 : i32, i32
  }
  func.func @transform_2(%arg0: i32) -> (i32, i32) {
    %c0_i32 = arith.constant 0 : i32
    %c0_i32_0 = arith.constant 0 : i32
    %c0_i32_1 = arith.constant 0 : i32
    return %c0_i32, %c0_i32_0 : i32, i32
  }
  func.func @transform_3(%arg0: i32) -> (i32, i32) {
    %c0_i32 = arith.constant 0 : i32
    %c0_i32_0 = arith.constant 0 : i32
    %c0_i32_1 = arith.constant 0 : i32
    return %c0_i32, %c0_i32_0 : i32, i32
  }
  func.func @transform_4(%arg0: i32) -> (i32, i32) {
    %c0_i32 = arith.constant 0 : i32
    %c0_i32_0 = arith.constant 0 : i32
    %c0_i32_1 = arith.constant 0 : i32
    return %c0_i32, %c0_i32_0 : i32, i32
  }
  func.func @transform_5(%arg0: i32) -> (i32, i32) {
    %c0_i32 = arith.constant 0 : i32
    %c0_i32_0 = arith.constant 0 : i32
    %c0_i32_1 = arith.constant 0 : i32
    return %c0_i32, %c0_i32_0 : i32, i32
  }
  func.func @transform_6(%arg0: i32) -> (i32, i32) {
    %c0_i32 = arith.constant 0 : i32
    %c0_i32_0 = arith.constant 0 : i32
    %c0_i32_1 = arith.constant 0 : i32
    return %c0_i32, %c0_i32_0 : i32, i32
  }
}

module attributes {stable_mosaic.version = 14 : i64} {
  func.func @_k3_body(%arg0: i32, %arg1: memref<2x5000x128xf32, #tpu.memory_space<vmem>>, %arg2: memref<128x128xf32, #tpu.memory_space<vmem>>, %arg3: memref<1x128xf32, #tpu.memory_space<vmem>>, %arg4: memref<1x128xf32, #tpu.memory_space<vmem>>, %arg5: memref<1x128xf32, #tpu.memory_space<vmem>>, %arg6: memref<5000x128xbf16, #tpu.memory_space<vmem>>, %arg7: memref<128x128xf32, #tpu.memory_space<vmem>>, %arg8: memref<1x128xf32, #tpu.memory_space<vmem>>, %arg9: memref<128x128xf32, #tpu.memory_space<vmem>>, %arg10: memref<1x128xf32, #tpu.memory_space<vmem>>) attributes {dimension_semantics = [#tpu.dimension_semantics<arbitrary>], iteration_bounds = array<i64: 2>, scalar_prefetch = 0 : i64, scratch_operands = 2 : i64, tpu.core_type = #tpu.core_type<tc>, window_params = [{transform_indices = @transform_0, window_bounds = array<i64: 2, 5000, 128>}, {pipeline_mode = #tpu.pipeline_mode<synchronous>, transform_indices = @transform_1, window_bounds = array<i64: 128, 128>}, {pipeline_mode = #tpu.pipeline_mode<synchronous>, transform_indices = @transform_2, window_bounds = array<i64: 1, 128>}, {pipeline_mode = #tpu.pipeline_mode<synchronous>, transform_indices = @transform_3, window_bounds = array<i64: 1, 128>}, {pipeline_mode = #tpu.pipeline_mode<synchronous>, transform_indices = @transform_4, window_bounds = array<i64: 1, 128>}, {transform_indices = @transform_5, window_bounds = array<i64: 5000, 128>}, {pipeline_mode = #tpu.pipeline_mode<synchronous>, transform_indices = @transform_6, window_bounds = array<i64: 128, 128>}, {pipeline_mode = #tpu.pipeline_mode<synchronous>, transform_indices = @transform_7, window_bounds = array<i64: 1, 128>}]} {
    %eq3A = arith.constant 0 : i32
    %eq3A_0 = arith.cmpi eq, %arg0, %eq3A : i32
    %convert_element_type3A = arith.extui %eq3A_0 : i1 to i32
    %cond3A = arith.constant 0 : i32
    %cond3A_1 = arith.cmpi ne, %convert_element_type3A, %cond3A : i32
    scf.if %cond3A_1 {
      %broadcast_in_dim3A_35 = arith.constant 0.000000e+00 : f32
      %broadcast_in_dim3A_36 = vector.broadcast %broadcast_in_dim3A_35 : f32 to vector<128x128xf32>
      %swap3A_37 = arith.constant 0 : index
      %swap3A_38 = arith.constant 0 : index
      %swap3A_39 = vector.load %arg9[%swap3A_37, %swap3A_38] : memref<128x128xf32, #tpu.memory_space<vmem>>, vector<128x128xf32>
      tpu.vector_store %arg9[%swap3A_37, %swap3A_38], %broadcast_in_dim3A_36 {strides = array<i32>} : memref<128x128xf32, #tpu.memory_space<vmem>>, vector<128x128xf32>,
      %broadcast_in_dim3A_40 = arith.constant 0.000000e+00 : f32
      %broadcast_in_dim3A_41 = vector.broadcast %broadcast_in_dim3A_40 : f32 to vector<1x128xf32>
      %swap3A_42 = arith.constant 0 : index
      %swap3A_43 = arith.constant 0 : index
      %swap3A_44 = vector.load %arg10[%swap3A_42, %swap3A_43] : memref<1x128xf32, #tpu.memory_space<vmem>>, vector<1x128xf32>
      tpu.vector_store %arg10[%swap3A_42, %swap3A_43], %broadcast_in_dim3A_41 {strides = array<i32>} : memref<1x128xf32, #tpu.memory_space<vmem>>, vector<1x128xf32>,
    } else {
    }
    %get3A = arith.constant 0 : index
    %get3A_2 = arith.constant 0 : index
    %get3A_3 = arith.constant 0 : index
    %get3A_4 = vector.load %arg1[%get3A, %get3A_2, %get3A_3] : memref<2x5000x128xf32, #tpu.memory_space<vmem>>, vector<1x5000x128xf32>
    %get3A_5 = vector.shape_cast %get3A_4 : vector<1x5000x128xf32> to vector<5000x128xf32>
    %get3A_6 = arith.constant 1 : index
    %get3A_7 = arith.constant 0 : index
    %get3A_8 = arith.constant 0 : index
    %get3A_9 = vector.load %arg1[%get3A_6, %get3A_7, %get3A_8] : memref<2x5000x128xf32, #tpu.memory_space<vmem>>, vector<1x5000x128xf32>
    %get3A_10 = vector.shape_cast %get3A_9 : vector<1x5000x128xf32> to vector<5000x128xf32>
    %add3A = arith.addf %get3A_5, %get3A_10 : vector<5000x128xf32>
    %convert_element_type3A_11 = arith.truncf %add3A : vector<5000x128xf32> to vector<5000x128xbf16>
    %swap3A = arith.constant 0 : index
    %swap3A_12 = arith.constant 0 : index
    %swap3A_13 = vector.load %arg6[%swap3A, %swap3A_12] : memref<5000x128xbf16, #tpu.memory_space<vmem>>, vector<5000x128xbf16>
    tpu.vector_store %arg6[%swap3A, %swap3A_12], %convert_element_type3A_11 {strides = array<i32>} : memref<5000x128xbf16, #tpu.memory_space<vmem>>, vector<5000x128xbf16>,
    %get3A_14 = arith.constant 0 : index
    %get3A_15 = arith.constant 0 : index
    %get3A_16 = vector.load %arg9[%get3A_14, %get3A_15] : memref<128x128xf32, #tpu.memory_space<vmem>>, vector<128x128xf32>
    %dot_general3A = arith.constant dense<0.000000e+00> : vector<128x128xf32>
    %dot_general3A_17 = tpu.matmul %add3A, %add3A, %dot_general3A {dimension_numbers = #tpu.dot_dimension_numbers<[0], [0], [1], [1], [0, 1, 1, 1], [], []>, transpose_lhs_hint = false} : vector<5000x128xf32>, vector<5000x128xf32>, vector<128x128xf32> -> vector<128x128xf32>
    %add3A_18 = arith.addf %get3A_16, %dot_general3A_17 : vector<128x128xf32>
    %swap3A_19 = arith.constant 0 : index
    %swap3A_20 = arith.constant 0 : index
    %swap3A_21 = vector.load %arg9[%swap3A_19, %swap3A_20] : memref<128x128xf32, #tpu.memory_space<vmem>>, vector<128x128xf32>
    tpu.vector_store %arg9[%swap3A_19, %swap3A_20], %add3A_18 {strides = array<i32>} : memref<128x128xf32, #tpu.memory_space<vmem>>, vector<128x128xf32>,
    %get3A_22 = arith.constant 0 : index
    %get3A_23 = arith.constant 0 : index
    %get3A_24 = vector.load %arg10[%get3A_22, %get3A_23] : memref<1x128xf32, #tpu.memory_space<vmem>>, vector<1x128xf32>
    %reduce_sum3A = arith.constant dense<0.000000e+00> : vector<128xf32>
    %reduce_sum3A_25 = vector.multi_reduction <add>, %add3A, %reduce_sum3A [0] : vector<5000x128xf32> to vector<128xf32>
    %broadcast_in_dim3A = vector.shape_cast %reduce_sum3A_25 : vector<128xf32> to vector<1x128xf32>
    %add3A_26 = arith.addf %get3A_24, %broadcast_in_dim3A : vector<1x128xf32>
    %swap3A_27 = arith.constant 0 : index
    %swap3A_28 = arith.constant 0 : index
    %swap3A_29 = vector.load %arg10[%swap3A_27, %swap3A_28] : memref<1x128xf32, #tpu.memory_space<vmem>>, vector<1x128xf32>
    tpu.vector_store %arg10[%swap3A_27, %swap3A_28], %add3A_26 {strides = array<i32>} : memref<1x128xf32, #tpu.memory_space<vmem>>, vector<1x128xf32>,
    %eq3A_30 = arith.constant 1 : i32
    %eq3A_31 = arith.cmpi eq, %arg0, %eq3A_30 : i32
    %convert_element_type3A_32 = arith.extui %eq3A_31 : i1 to i32
    %cond3A_33 = arith.constant 0 : i32
    %cond3A_34 = arith.cmpi ne, %convert_element_type3A_32, %cond3A_33 : i32
    scf.if %cond3A_34 {
      %get3A_35 = arith.constant 0 : index
      %get3A_36 = arith.constant 0 : index
      %get3A_37 = vector.load %arg9[%get3A_35, %get3A_36] : memref<128x128xf32, #tpu.memory_space<vmem>>, vector<128x128xf32>
      %get3A_38 = arith.constant 0 : index
      %get3A_39 = arith.constant 0 : index
      %get3A_40 = vector.load %arg10[%get3A_38, %get3A_39] : memref<1x128xf32, #tpu.memory_space<vmem>>, vector<1x128xf32>
      %get3A_41 = arith.constant 0 : index
      %get3A_42 = arith.constant 0 : index
      %get3A_43 = vector.load %arg2[%get3A_41, %get3A_42] : memref<128x128xf32, #tpu.memory_space<vmem>>, vector<128x128xf32>
      %get3A_44 = arith.constant 0 : index
      %get3A_45 = arith.constant 0 : index
      %get3A_46 = vector.load %arg3[%get3A_44, %get3A_45] : memref<1x128xf32, #tpu.memory_space<vmem>>, vector<1x128xf32>
      %get3A_47 = arith.constant 0 : index
      %get3A_48 = arith.constant 0 : index
      %get3A_49 = vector.load %arg4[%get3A_47, %get3A_48] : memref<1x128xf32, #tpu.memory_space<vmem>>, vector<1x128xf32>
      %get3A_50 = arith.constant 0 : index
      %get3A_51 = arith.constant 0 : index
      %get3A_52 = vector.load %arg5[%get3A_50, %get3A_51] : memref<1x128xf32, #tpu.memory_space<vmem>>, vector<1x128xf32>
      %mul3A = arith.constant 9.99999974E-5 : f32
      %mul3A_53 = vector.broadcast %mul3A : f32 to vector<1x128xf32>
      %mul3A_54 = arith.mulf %get3A_40, %mul3A_53 : vector<1x128xf32>
      %dot_general3A_55 = arith.constant dense<0.000000e+00> : vector<1x128xf32>
      %dot_general3A_56 = tpu.matmul %mul3A_54, %get3A_43, %dot_general3A_55 {dimension_numbers = #tpu.dot_dimension_numbers<[1], [0], [0], [1], [0, 0, 1, 1], [], []>, transpose_lhs_hint = false} : vector<1x128xf32>, vector<128x128xf32>, vector<1x128xf32> -> vector<1x128xf32>
      %add3A_57 = arith.addf %dot_general3A_56, %get3A_46 : vector<1x128xf32>
      %dot_general3A_58 = arith.constant dense<0.000000e+00> : vector<128x128xf32>
      %dot_general3A_59 = tpu.matmul %get3A_37, %get3A_43, %dot_general3A_58 {dimension_numbers = #tpu.dot_dimension_numbers<[1], [0], [0], [1], [0, 0, 1, 1], [], []>, transpose_lhs_hint = false} : vector<128x128xf32>, vector<128x128xf32>, vector<128x128xf32> -> vector<128x128xf32>
      %mul3A_60 = arith.constant 9.99999974E-5 : f32
      %mul3A_61 = vector.broadcast %mul3A_60 : f32 to vector<128x128xf32>
      %mul3A_62 = arith.mulf %dot_general3A_59, %mul3A_61 : vector<128x128xf32>
      %mul3A_63 = arith.mulf %get3A_43, %mul3A_62 : vector<128x128xf32>
      %reduce_sum3A_64 = arith.constant dense<0.000000e+00> : vector<128xf32>
      %reduce_sum3A_65 = vector.multi_reduction <add>, %mul3A_63, %reduce_sum3A_64 [0] : vector<128x128xf32> to vector<128xf32>
      %broadcast_in_dim3A_66 = vector.shape_cast %reduce_sum3A_65 : vector<128xf32> to vector<1x128xf32>
      %mul3A_67 = arith.mulf %dot_general3A_56, %dot_general3A_56 : vector<1x128xf32>
      %sub3A = arith.subf %broadcast_in_dim3A_66, %mul3A_67 : vector<1x128xf32>
      %add3A_68 = arith.constant 9.99999974E-6 : f32
      %add3A_69 = vector.broadcast %add3A_68 : f32 to vector<1x128xf32>
      %add3A_70 = arith.addf %sub3A, %add3A_69 : vector<1x128xf32>
      %rsqrt3A = math.rsqrt %add3A_70 : vector<1x128xf32>
      %mul3A_71 = arith.mulf %get3A_49, %rsqrt3A : vector<1x128xf32>
      %mul3A_72 = vector.broadcast %mul3A_71 : vector<1x128xf32> to vector<128x128xf32>
      %mul3A_73 = arith.mulf %get3A_43, %mul3A_72 : vector<128x128xf32>
      %sub3A_74 = arith.subf %get3A_46, %add3A_57 : vector<1x128xf32>
      %mul3A_75 = arith.mulf %sub3A_74, %mul3A_71 : vector<1x128xf32>
      %add3A_76 = arith.addf %mul3A_75, %get3A_52 : vector<1x128xf32>
      %swap3A_77 = arith.constant 0 : index
      %swap3A_78 = arith.constant 0 : index
      %swap3A_79 = vector.load %arg7[%swap3A_77, %swap3A_78] : memref<128x128xf32, #tpu.memory_space<vmem>>, vector<128x128xf32>
      tpu.vector_store %arg7[%swap3A_77, %swap3A_78], %mul3A_73 {strides = array<i32>} : memref<128x128xf32, #tpu.memory_space<vmem>>, vector<128x128xf32>,
      %swap3A_80 = arith.constant 0 : index
      %swap3A_81 = arith.constant 0 : index
      %swap3A_82 = vector.load %arg8[%swap3A_80, %swap3A_81] : memref<1x128xf32, #tpu.memory_space<vmem>>, vector<1x128xf32>
      tpu.vector_store %arg8[%swap3A_80, %swap3A_81], %add3A_76 {strides = array<i32>} : memref<1x128xf32, #tpu.memory_space<vmem>>, vector<1x128xf32>,
    } else {
    }
    return
  }
  func.func @transform_0(%arg0: i32) -> (i32, i32, i32) {
    %c0_i32 = arith.constant 0 : i32
    %c0_i32_0 = arith.constant 0 : i32
    %c0_i32_1 = arith.constant 0 : i32
    return %c0_i32, %arg0, %c0_i32_0 : i32, i32, i32
  }
  func.func @transform_1(%arg0: i32) -> (i32, i32) {
    %c0_i32 = arith.constant 0 : i32
    %c0_i32_0 = arith.constant 0 : i32
    %c0_i32_1 = arith.constant 0 : i32
    return %c0_i32, %c0_i32_0 : i32, i32
  }
  func.func @transform_2(%arg0: i32) -> (i32, i32) {
    %c0_i32 = arith.constant 0 : i32
    %c0_i32_0 = arith.constant 0 : i32
    %c0_i32_1 = arith.constant 0 : i32
    return %c0_i32, %c0_i32_0 : i32, i32
  }
  func.func @transform_3(%arg0: i32) -> (i32, i32) {
    %c0_i32 = arith.constant 0 : i32
    %c0_i32_0 = arith.constant 0 : i32
    %c0_i32_1 = arith.constant 0 : i32
    return %c0_i32, %c0_i32_0 : i32, i32
  }
  func.func @transform_4(%arg0: i32) -> (i32, i32) {
    %c0_i32 = arith.constant 0 : i32
    %c0_i32_0 = arith.constant 0 : i32
    %c0_i32_1 = arith.constant 0 : i32
    return %c0_i32, %c0_i32_0 : i32, i32
  }
  func.func @transform_5(%arg0: i32) -> (i32, i32) {
    %c0_i32 = arith.constant 0 : i32
    %c0_i32_0 = arith.constant 0 : i32
    return %arg0, %c0_i32 : i32, i32
  }
  func.func @transform_6(%arg0: i32) -> (i32, i32) {
    %c0_i32 = arith.constant 0 : i32
    %c0_i32_0 = arith.constant 0 : i32
    %c0_i32_1 = arith.constant 0 : i32
    return %c0_i32, %c0_i32_0 : i32, i32
  }
  func.func @transform_7(%arg0: i32) -> (i32, i32) {
    %c0_i32 = arith.constant 0 : i32
    %c0_i32_0 = arith.constant 0 : i32
    %c0_i32_1 = arith.constant 0 : i32
    return %c0_i32, %c0_i32_0 : i32, i32
  }
}

module attributes {stable_mosaic.version = 14 : i64} {
  func.func @_k4_body(%arg0: i32, %arg1: memref<5000x128xbf16, #tpu.memory_space<vmem>>, %arg2: memref<128x128xf32, #tpu.memory_space<vmem>>, %arg3: memref<1x128xf32, #tpu.memory_space<vmem>>, %arg4: memref<128x128xf32, #tpu.memory_space<vmem>>, %arg5: memref<1x128xf32, #tpu.memory_space<vmem>>, %arg6: memref<128x256xf32, #tpu.memory_space<vmem>>, %arg7: memref<1x256xf32, #tpu.memory_space<vmem>>, %arg8: memref<1x256xf32, #tpu.memory_space<vmem>>, %arg9: memref<1x256xf32, #tpu.memory_space<vmem>>, %arg10: memref<5000x128xbf16, #tpu.memory_space<vmem>>, %arg11: memref<128x256xf32, #tpu.memory_space<vmem>>, %arg12: memref<1x256xf32, #tpu.memory_space<vmem>>, %arg13: memref<128x128xf32, #tpu.memory_space<vmem>>, %arg14: memref<1x128xf32, #tpu.memory_space<vmem>>) attributes {dimension_semantics = [#tpu.dimension_semantics<arbitrary>], iteration_bounds = array<i64: 2>, scalar_prefetch = 0 : i64, scratch_operands = 2 : i64, tpu.core_type = #tpu.core_type<tc>, window_params = [{transform_indices = @transform_0, window_bounds = array<i64: 5000, 128>}, {pipeline_mode = #tpu.pipeline_mode<synchronous>, transform_indices = @transform_1, window_bounds = array<i64: 128, 128>}, {pipeline_mode = #tpu.pipeline_mode<synchronous>, transform_indices = @transform_2, window_bounds = array<i64: 1, 128>}, {pipeline_mode = #tpu.pipeline_mode<synchronous>, transform_indices = @transform_3, window_bounds = array<i64: 128, 128>}, {pipeline_mode = #tpu.pipeline_mode<synchronous>, transform_indices = @transform_4, window_bounds = array<i64: 1, 128>}, {pipeline_mode = #tpu.pipeline_mode<synchronous>, transform_indices = @transform_5, window_bounds = array<i64: 128, 256>}, {pipeline_mode = #tpu.pipeline_mode<synchronous>, transform_indices = @transform_6, window_bounds = array<i64: 1, 256>}, {pipeline_mode = #tpu.pipeline_mode<synchronous>, transform_indices = @transform_7, window_bounds = array<i64: 1, 256>}, {pipeline_mode = #tpu.pipeline_mode<synchronous>, transform_indices = @transform_8, window_bounds = array<i64: 1, 256>}, {transform_indices = @transform_9, window_bounds = array<i64: 5000, 128>}, {pipeline_mode = #tpu.pipeline_mode<synchronous>, transform_indices = @transform_10, window_bounds = array<i64: 128, 256>}, {pipeline_mode = #tpu.pipeline_mode<synchronous>, transform_indices = @transform_11, window_bounds = array<i64: 1, 256>}]} {
    %eq3A = arith.constant 0 : i32
    %eq3A_0 = arith.cmpi eq, %arg0, %eq3A : i32
    %convert_element_type3A = arith.extui %eq3A_0 : i1 to i32
    %cond3A = arith.constant 0 : i32
    %cond3A_1 = arith.cmpi ne, %convert_element_type3A, %cond3A : i32
    scf.if %cond3A_1 {
      %broadcast_in_dim3A_57 = arith.constant 0.000000e+00 : f32
      %broadcast_in_dim3A_58 = vector.broadcast %broadcast_in_dim3A_57 : f32 to vector<128x128xf32>
      %swap3A_59 = arith.constant 0 : index
      %swap3A_60 = arith.constant 0 : index
      %swap3A_61 = vector.load %arg13[%swap3A_59, %swap3A_60] : memref<128x128xf32, #tpu.memory_space<vmem>>, vector<128x128xf32>
      tpu.vector_store %arg13[%swap3A_59, %swap3A_60], %broadcast_in_dim3A_58 {strides = array<i32>} : memref<128x128xf32, #tpu.memory_space<vmem>>, vector<128x128xf32>,
      %broadcast_in_dim3A_62 = arith.constant 0.000000e+00 : f32
      %broadcast_in_dim3A_63 = vector.broadcast %broadcast_in_dim3A_62 : f32 to vector<1x128xf32>
      %swap3A_64 = arith.constant 0 : index
      %swap3A_65 = arith.constant 0 : index
      %swap3A_66 = vector.load %arg14[%swap3A_64, %swap3A_65] : memref<1x128xf32, #tpu.memory_space<vmem>>, vector<1x128xf32>
      tpu.vector_store %arg14[%swap3A_64, %swap3A_65], %broadcast_in_dim3A_63 {strides = array<i32>} : memref<1x128xf32, #tpu.memory_space<vmem>>, vector<1x128xf32>,
    } else {
    }
    %get3A = arith.constant 0 : index
    %get3A_2 = arith.constant 0 : index
    %get3A_3 = vector.load %arg1[%get3A, %get3A_2] : memref<5000x128xbf16, #tpu.memory_space<vmem>>, vector<5000x128xbf16>
    %convert_element_type3A_4 = arith.extf %get3A_3 : vector<5000x128xbf16> to vector<5000x128xf32>
    %get3A_5 = arith.constant 0 : index
    %get3A_6 = arith.constant 0 : index
    %get3A_7 = vector.load %arg2[%get3A_5, %get3A_6] : memref<128x128xf32, #tpu.memory_space<vmem>>, vector<128x128xf32>
    %dot_general3A = arith.constant dense<0.000000e+00> : vector<5000x128xf32>
    %dot_general3A_8 = tpu.matmul %convert_element_type3A_4, %get3A_7, %dot_general3A {dimension_numbers = #tpu.dot_dimension_numbers<[1], [0], [0], [1], [0, 0, 1, 1], [], []>, transpose_lhs_hint = false} : vector<5000x128xf32>, vector<128x128xf32>, vector<5000x128xf32> -> vector<5000x128xf32>
    %get3A_9 = arith.constant 0 : index
    %get3A_10 = arith.constant 0 : index
    %get3A_11 = vector.load %arg3[%get3A_9, %get3A_10] : memref<1x128xf32, #tpu.memory_space<vmem>>, vector<1x128xf32>
    %add3A = vector.broadcast %get3A_11 : vector<1x128xf32> to vector<5000x128xf32>
    %add3A_12 = arith.addf %dot_general3A_8, %add3A : vector<5000x128xf32>
    %mul3A = arith.constant 5.000000e-01 : f32
    %mul3A_13 = vector.broadcast %mul3A : f32 to vector<5000x128xf32>
    %mul3A_14 = arith.mulf %mul3A_13, %add3A_12 : vector<5000x128xf32>
    %mul3A_15 = arith.constant 0.707106769 : f32
    %mul3A_16 = vector.broadcast %mul3A_15 : f32 to vector<5000x128xf32>
    %mul3A_17 = arith.mulf %add3A_12, %mul3A_16 : vector<5000x128xf32>
    %erf3A = math.erf %mul3A_17 : vector<5000x128xf32>
    %add3A_18 = arith.constant 1.000000e+00 : f32
    %add3A_19 = vector.broadcast %add3A_18 : f32 to vector<5000x128xf32>
    %add3A_20 = arith.addf %add3A_19, %erf3A : vector<5000x128xf32>
    %mul3A_21 = arith.mulf %mul3A_14, %add3A_20 : vector<5000x128xf32>
    %get3A_22 = arith.constant 0 : index
    %get3A_23 = arith.constant 0 : index
    %get3A_24 = vector.load %arg4[%get3A_22, %get3A_23] : memref<128x128xf32, #tpu.memory_space<vmem>>, vector<128x128xf32>
    %dot_general3A_25 = arith.constant dense<0.000000e+00> : vector<5000x128xf32>
    %dot_general3A_26 = tpu.matmul %mul3A_21, %get3A_24, %dot_general3A_25 {dimension_numbers = #tpu.dot_dimension_numbers<[1], [0], [0], [1], [0, 0, 1, 1], [], []>, transpose_lhs_hint = false} : vector<5000x128xf32>, vector<128x128xf32>, vector<5000x128xf32> -> vector<5000x128xf32>
    %get3A_27 = arith.constant 0 : index
    %get3A_28 = arith.constant 0 : index
    %get3A_29 = vector.load %arg5[%get3A_27, %get3A_28] : memref<1x128xf32, #tpu.memory_space<vmem>>, vector<1x128xf32>
    %add3A_30 = vector.broadcast %get3A_29 : vector<1x128xf32> to vector<5000x128xf32>
    %add3A_31 = arith.addf %dot_general3A_26, %add3A_30 : vector<5000x128xf32>
    %convert_element_type3A_32 = arith.truncf %add3A_31 : vector<5000x128xf32> to vector<5000x128xbf16>
    %swap3A = arith.constant 0 : index
    %swap3A_33 = arith.constant 0 : index
    %swap3A_34 = vector.load %arg10[%swap3A, %swap3A_33] : memref<5000x128xbf16, #tpu.memory_space<vmem>>, vector<5000x128xbf16>
    tpu.vector_store %arg10[%swap3A, %swap3A_33], %convert_element_type3A_32 {strides = array<i32>} : memref<5000x128xbf16, #tpu.memory_space<vmem>>, vector<5000x128xbf16>,
    %get3A_35 = arith.constant 0 : index
    %get3A_36 = arith.constant 0 : index
    %get3A_37 = vector.load %arg13[%get3A_35, %get3A_36] : memref<128x128xf32, #tpu.memory_space<vmem>>, vector<128x128xf32>
    %dot_general3A_38 = arith.constant dense<0.000000e+00> : vector<128x128xf32>
    %dot_general3A_39 = tpu.matmul %add3A_31, %add3A_31, %dot_general3A_38 {dimension_numbers = #tpu.dot_dimension_numbers<[0], [0], [1], [1], [0, 1, 1, 1], [], []>, transpose_lhs_hint = false} : vector<5000x128xf32>, vector<5000x128xf32>, vector<128x128xf32> -> vector<128x128xf32>
    %add3A_40 = arith.addf %get3A_37, %dot_general3A_39 : vector<128x128xf32>
    %swap3A_41 = arith.constant 0 : index
    %swap3A_42 = arith.constant 0 : index
    %swap3A_43 = vector.load %arg13[%swap3A_41, %swap3A_42] : memref<128x128xf32, #tpu.memory_space<vmem>>, vector<128x128xf32>
    tpu.vector_store %arg13[%swap3A_41, %swap3A_42], %add3A_40 {strides = array<i32>} : memref<128x128xf32, #tpu.memory_space<vmem>>, vector<128x128xf32>,
    %get3A_44 = arith.constant 0 : index
    %get3A_45 = arith.constant 0 : index
    %get3A_46 = vector.load %arg14[%get3A_44, %get3A_45] : memref<1x128xf32, #tpu.memory_space<vmem>>, vector<1x128xf32>
    %reduce_sum3A = arith.constant dense<0.000000e+00> : vector<128xf32>
    %reduce_sum3A_47 = vector.multi_reduction <add>, %add3A_31, %reduce_sum3A [0] : vector<5000x128xf32> to vector<128xf32>
    %broadcast_in_dim3A = vector.shape_cast %reduce_sum3A_47 : vector<128xf32> to vector<1x128xf32>
    %add3A_48 = arith.addf %get3A_46, %broadcast_in_dim3A : vector<1x128xf32>
    %swap3A_49 = arith.constant 0 : index
    %swap3A_50 = arith.constant 0 : index
    %swap3A_51 = vector.load %arg14[%swap3A_49, %swap3A_50] : memref<1x128xf32, #tpu.memory_space<vmem>>, vector<1x128xf32>
    tpu.vector_store %arg14[%swap3A_49, %swap3A_50], %add3A_48 {strides = array<i32>} : memref<1x128xf32, #tpu.memory_space<vmem>>, vector<1x128xf32>,
    %eq3A_52 = arith.constant 1 : i32
    %eq3A_53 = arith.cmpi eq, %arg0, %eq3A_52 : i32
    %convert_element_type3A_54 = arith.extui %eq3A_53 : i1 to i32
    %cond3A_55 = arith.constant 0 : i32
    %cond3A_56 = arith.cmpi ne, %convert_element_type3A_54, %cond3A_55 : i32
    scf.if %cond3A_56 {
      %get3A_57 = arith.constant 0 : index
      %get3A_58 = arith.constant 0 : index
      %get3A_59 = vector.load %arg13[%get3A_57, %get3A_58] : memref<128x128xf32, #tpu.memory_space<vmem>>, vector<128x128xf32>
      %get3A_60 = arith.constant 0 : index
      %get3A_61 = arith.constant 0 : index
      %get3A_62 = vector.load %arg14[%get3A_60, %get3A_61] : memref<1x128xf32, #tpu.memory_space<vmem>>, vector<1x128xf32>
      %get3A_63 = arith.constant 0 : index
      %get3A_64 = arith.constant 0 : index
      %get3A_65 = vector.load %arg6[%get3A_63, %get3A_64] : memref<128x256xf32, #tpu.memory_space<vmem>>, vector<128x256xf32>
      %get3A_66 = arith.constant 0 : index
      %get3A_67 = arith.constant 0 : index
      %get3A_68 = vector.load %arg7[%get3A_66, %get3A_67] : memref<1x256xf32, #tpu.memory_space<vmem>>, vector<1x256xf32>
      %get3A_69 = arith.constant 0 : index
      %get3A_70 = arith.constant 0 : index
      %get3A_71 = vector.load %arg8[%get3A_69, %get3A_70] : memref<1x256xf32, #tpu.memory_space<vmem>>, vector<1x256xf32>
      %get3A_72 = arith.constant 0 : index
      %get3A_73 = arith.constant 0 : index
      %get3A_74 = vector.load %arg9[%get3A_72, %get3A_73] : memref<1x256xf32, #tpu.memory_space<vmem>>, vector<1x256xf32>
      %mul3A_75 = arith.constant 9.99999974E-5 : f32
      %mul3A_76 = vector.broadcast %mul3A_75 : f32 to vector<1x128xf32>
      %mul3A_77 = arith.mulf %get3A_62, %mul3A_76 : vector<1x128xf32>
      %dot_general3A_78 = arith.constant dense<0.000000e+00> : vector<1x256xf32>
      %dot_general3A_79 = tpu.matmul %mul3A_77, %get3A_65, %dot_general3A_78 {dimension_numbers = #tpu.dot_dimension_numbers<[1], [0], [0], [1], [0, 0, 1, 1], [], []>, transpose_lhs_hint = false} : vector<1x128xf32>, vector<128x256xf32>, vector<1x256xf32> -> vector<1x256xf32>
      %add3A_80 = arith.addf %dot_general3A_79, %get3A_68 : vector<1x256xf32>
      %dot_general3A_81 = arith.constant dense<0.000000e+00> : vector<128x256xf32>
      %dot_general3A_82 = tpu.matmul %get3A_59, %get3A_65, %dot_general3A_81 {dimension_numbers = #tpu.dot_dimension_numbers<[1], [0], [0], [1], [0, 0, 1, 1], [], []>, transpose_lhs_hint = false} : vector<128x128xf32>, vector<128x256xf32>, vector<128x256xf32> -> vector<128x256xf32>
      %mul3A_83 = arith.constant 9.99999974E-5 : f32
      %mul3A_84 = vector.broadcast %mul3A_83 : f32 to vector<128x256xf32>
      %mul3A_85 = arith.mulf %dot_general3A_82, %mul3A_84 : vector<128x256xf32>
      %mul3A_86 = arith.mulf %get3A_65, %mul3A_85 : vector<128x256xf32>
      %reduce_sum3A_87 = arith.constant dense<0.000000e+00> : vector<256xf32>
      %reduce_sum3A_88 = vector.multi_reduction <add>, %mul3A_86, %reduce_sum3A_87 [0] : vector<128x256xf32> to vector<256xf32>
      %broadcast_in_dim3A_89 = vector.shape_cast %reduce_sum3A_88 : vector<256xf32> to vector<1x256xf32>
      %mul3A_90 = arith.mulf %dot_general3A_79, %dot_general3A_79 : vector<1x256xf32>
      %sub3A = arith.subf %broadcast_in_dim3A_89, %mul3A_90 : vector<1x256xf32>
      %add3A_91 = arith.constant 9.99999974E-6 : f32
      %add3A_92 = vector.broadcast %add3A_91 : f32 to vector<1x256xf32>
      %add3A_93 = arith.addf %sub3A, %add3A_92 : vector<1x256xf32>
      %rsqrt3A = math.rsqrt %add3A_93 : vector<1x256xf32>
      %mul3A_94 = arith.mulf %get3A_71, %rsqrt3A : vector<1x256xf32>
      %mul3A_95 = vector.broadcast %mul3A_94 : vector<1x256xf32> to vector<128x256xf32>
      %mul3A_96 = arith.mulf %get3A_65, %mul3A_95 : vector<128x256xf32>
      %sub3A_97 = arith.subf %get3A_68, %add3A_80 : vector<1x256xf32>
      %mul3A_98 = arith.mulf %sub3A_97, %mul3A_94 : vector<1x256xf32>
      %add3A_99 = arith.addf %mul3A_98, %get3A_74 : vector<1x256xf32>
      %swap3A_100 = arith.constant 0 : index
      %swap3A_101 = arith.constant 0 : index
      %swap3A_102 = vector.load %arg11[%swap3A_100, %swap3A_101] : memref<128x256xf32, #tpu.memory_space<vmem>>, vector<128x256xf32>
      tpu.vector_store %arg11[%swap3A_100, %swap3A_101], %mul3A_96 {strides = array<i32>} : memref<128x256xf32, #tpu.memory_space<vmem>>, vector<128x256xf32>,
      %swap3A_103 = arith.constant 0 : index
      %swap3A_104 = arith.constant 0 : index
      %swap3A_105 = vector.load %arg12[%swap3A_103, %swap3A_104] : memref<1x256xf32, #tpu.memory_space<vmem>>, vector<1x256xf32>
      tpu.vector_store %arg12[%swap3A_103, %swap3A_104], %add3A_99 {strides = array<i32>} : memref<1x256xf32, #tpu.memory_space<vmem>>, vector<1x256xf32>,
    } else {
    }
    return
  }
  func.func @transform_0(%arg0: i32) -> (i32, i32) {
    %c0_i32 = arith.constant 0 : i32
    %c0_i32_0 = arith.constant 0 : i32
    return %arg0, %c0_i32 : i32, i32
  }
  func.func @transform_1(%arg0: i32) -> (i32, i32) {
    %c0_i32 = arith.constant 0 : i32
    %c0_i32_0 = arith.constant 0 : i32
    %c0_i32_1 = arith.constant 0 : i32
    return %c0_i32, %c0_i32_0 : i32, i32
  }
  func.func @transform_2(%arg0: i32) -> (i32, i32) {
    %c0_i32 = arith.constant 0 : i32
    %c0_i32_0 = arith.constant 0 : i32
    %c0_i32_1 = arith.constant 0 : i32
    return %c0_i32, %c0_i32_0 : i32, i32
  }
  func.func @transform_3(%arg0: i32) -> (i32, i32) {
    %c0_i32 = arith.constant 0 : i32
    %c0_i32_0 = arith.constant 0 : i32
    %c0_i32_1 = arith.constant 0 : i32
    return %c0_i32, %c0_i32_0 : i32, i32
  }
  func.func @transform_4(%arg0: i32) -> (i32, i32) {
    %c0_i32 = arith.constant 0 : i32
    %c0_i32_0 = arith.constant 0 : i32
    %c0_i32_1 = arith.constant 0 : i32
    return %c0_i32, %c0_i32_0 : i32, i32
  }
  func.func @transform_5(%arg0: i32) -> (i32, i32) {
    %c0_i32 = arith.constant 0 : i32
    %c0_i32_0 = arith.constant 0 : i32
    %c0_i32_1 = arith.constant 0 : i32
    return %c0_i32, %c0_i32_0 : i32, i32
  }
  func.func @transform_6(%arg0: i32) -> (i32, i32) {
    %c0_i32 = arith.constant 0 : i32
    %c0_i32_0 = arith.constant 0 : i32
    %c0_i32_1 = arith.constant 0 : i32
    return %c0_i32, %c0_i32_0 : i32, i32
  }
  func.func @transform_7(%arg0: i32) -> (i32, i32) {
    %c0_i32 = arith.constant 0 : i32
    %c0_i32_0 = arith.constant 0 : i32
    %c0_i32_1 = arith.constant 0 : i32
    return %c0_i32, %c0_i32_0 : i32, i32
  }
  func.func @transform_8(%arg0: i32) -> (i32, i32) {
    %c0_i32 = arith.constant 0 : i32
    %c0_i32_0 = arith.constant 0 : i32
    %c0_i32_1 = arith.constant 0 : i32
    return %c0_i32, %c0_i32_0 : i32, i32
  }
  func.func @transform_9(%arg0: i32) -> (i32, i32) {
    %c0_i32 = arith.constant 0 : i32
    %c0_i32_0 = arith.constant 0 : i32
    return %arg0, %c0_i32 : i32, i32
  }
  func.func @transform_10(%arg0: i32) -> (i32, i32) {
    %c0_i32 = arith.constant 0 : i32
    %c0_i32_0 = arith.constant 0 : i32
    %c0_i32_1 = arith.constant 0 : i32
    return %c0_i32, %c0_i32_0 : i32, i32
  }
  func.func @transform_11(%arg0: i32) -> (i32, i32) {
    %c0_i32 = arith.constant 0 : i32
    %c0_i32_0 = arith.constant 0 : i32
    %c0_i32_1 = arith.constant 0 : i32
    return %c0_i32, %c0_i32_0 : i32, i32
  }
}

module attributes {stable_mosaic.version = 14 : i64} {
  func.func @_k5_body(%arg0: i32, %arg1: memref<5000x128xbf16, #tpu.memory_space<vmem>>, %arg2: memref<128x256xf32, #tpu.memory_space<vmem>>, %arg3: memref<1x256xf32, #tpu.memory_space<vmem>>, %arg4: memref<256x128xf32, #tpu.memory_space<vmem>>, %arg5: memref<1x128xf32, #tpu.memory_space<vmem>>, %arg6: memref<1x128xf32, #tpu.memory_space<vmem>>, %arg7: memref<1x128xf32, #tpu.memory_space<vmem>>, %arg8: memref<5000x128xbf16, #tpu.memory_space<vmem>>, %arg9: memref<1x128xf32, #tpu.memory_space<vmem>>, %arg10: memref<1x128xf32, #tpu.memory_space<vmem>>, %arg11: memref<1x128xf32, #tpu.memory_space<vmem>>, %arg12: memref<1x128xf32, #tpu.memory_space<vmem>>) attributes {dimension_semantics = [#tpu.dimension_semantics<arbitrary>], iteration_bounds = array<i64: 2>, scalar_prefetch = 0 : i64, scratch_operands = 2 : i64, tpu.core_type = #tpu.core_type<tc>, window_params = [{transform_indices = @transform_0, window_bounds = array<i64: 5000, 128>}, {pipeline_mode = #tpu.pipeline_mode<synchronous>, transform_indices = @transform_1, window_bounds = array<i64: 128, 256>}, {pipeline_mode = #tpu.pipeline_mode<synchronous>, transform_indices = @transform_2, window_bounds = array<i64: 1, 256>}, {pipeline_mode = #tpu.pipeline_mode<synchronous>, transform_indices = @transform_3, window_bounds = array<i64: 256, 128>}, {pipeline_mode = #tpu.pipeline_mode<synchronous>, transform_indices = @transform_4, window_bounds = array<i64: 1, 128>}, {pipeline_mode = #tpu.pipeline_mode<synchronous>, transform_indices = @transform_5, window_bounds = array<i64: 1, 128>}, {pipeline_mode = #tpu.pipeline_mode<synchronous>, transform_indices = @transform_6, window_bounds = array<i64: 1, 128>}, {transform_indices = @transform_7, window_bounds = array<i64: 5000, 128>}, {pipeline_mode = #tpu.pipeline_mode<synchronous>, transform_indices = @transform_8, window_bounds = array<i64: 1, 128>}, {pipeline_mode = #tpu.pipeline_mode<synchronous>, transform_indices = @transform_9, window_bounds = array<i64: 1, 128>}]} {
    %eq3A = arith.constant 0 : i32
    %eq3A_0 = arith.cmpi eq, %arg0, %eq3A : i32
    %convert_element_type3A = arith.extui %eq3A_0 : i1 to i32
    %cond3A = arith.constant 0 : i32
    %cond3A_1 = arith.cmpi ne, %convert_element_type3A, %cond3A : i32
    scf.if %cond3A_1 {
      %broadcast_in_dim3A_59 = arith.constant 0.000000e+00 : f32
      %broadcast_in_dim3A_60 = vector.broadcast %broadcast_in_dim3A_59 : f32 to vector<1x128xf32>
      %swap3A_61 = arith.constant 0 : index
      %swap3A_62 = arith.constant 0 : index
      %swap3A_63 = vector.load %arg11[%swap3A_61, %swap3A_62] : memref<1x128xf32, #tpu.memory_space<vmem>>, vector<1x128xf32>
      tpu.vector_store %arg11[%swap3A_61, %swap3A_62], %broadcast_in_dim3A_60 {strides = array<i32>} : memref<1x128xf32, #tpu.memory_space<vmem>>, vector<1x128xf32>,
      %broadcast_in_dim3A_64 = arith.constant 0.000000e+00 : f32
      %broadcast_in_dim3A_65 = vector.broadcast %broadcast_in_dim3A_64 : f32 to vector<1x128xf32>
      %swap3A_66 = arith.constant 0 : index
      %swap3A_67 = arith.constant 0 : index
      %swap3A_68 = vector.load %arg12[%swap3A_66, %swap3A_67] : memref<1x128xf32, #tpu.memory_space<vmem>>, vector<1x128xf32>
      tpu.vector_store %arg12[%swap3A_66, %swap3A_67], %broadcast_in_dim3A_65 {strides = array<i32>} : memref<1x128xf32, #tpu.memory_space<vmem>>, vector<1x128xf32>,
    } else {
    }
    %get3A = arith.constant 0 : index
    %get3A_2 = arith.constant 0 : index
    %get3A_3 = vector.load %arg1[%get3A, %get3A_2] : memref<5000x128xbf16, #tpu.memory_space<vmem>>, vector<5000x128xbf16>
    %convert_element_type3A_4 = arith.extf %get3A_3 : vector<5000x128xbf16> to vector<5000x128xf32>
    %get3A_5 = arith.constant 0 : index
    %get3A_6 = arith.constant 0 : index
    %get3A_7 = vector.load %arg2[%get3A_5, %get3A_6] : memref<128x256xf32, #tpu.memory_space<vmem>>, vector<128x256xf32>
    %dot_general3A = arith.constant dense<0.000000e+00> : vector<5000x256xf32>
    %dot_general3A_8 = tpu.matmul %convert_element_type3A_4, %get3A_7, %dot_general3A {dimension_numbers = #tpu.dot_dimension_numbers<[1], [0], [0], [1], [0, 0, 1, 1], [], []>, transpose_lhs_hint = false} : vector<5000x128xf32>, vector<128x256xf32>, vector<5000x256xf32> -> vector<5000x256xf32>
    %get3A_9 = arith.constant 0 : index
    %get3A_10 = arith.constant 0 : index
    %get3A_11 = vector.load %arg3[%get3A_9, %get3A_10] : memref<1x256xf32, #tpu.memory_space<vmem>>, vector<1x256xf32>
    %add3A = vector.broadcast %get3A_11 : vector<1x256xf32> to vector<5000x256xf32>
    %add3A_12 = arith.addf %dot_general3A_8, %add3A : vector<5000x256xf32>
    %mul3A = arith.constant 5.000000e-01 : f32
    %mul3A_13 = vector.broadcast %mul3A : f32 to vector<5000x256xf32>
    %mul3A_14 = arith.mulf %mul3A_13, %add3A_12 : vector<5000x256xf32>
    %mul3A_15 = arith.constant 0.707106769 : f32
    %mul3A_16 = vector.broadcast %mul3A_15 : f32 to vector<5000x256xf32>
    %mul3A_17 = arith.mulf %add3A_12, %mul3A_16 : vector<5000x256xf32>
    %erf3A = math.erf %mul3A_17 : vector<5000x256xf32>
    %add3A_18 = arith.constant 1.000000e+00 : f32
    %add3A_19 = vector.broadcast %add3A_18 : f32 to vector<5000x256xf32>
    %add3A_20 = arith.addf %add3A_19, %erf3A : vector<5000x256xf32>
    %mul3A_21 = arith.mulf %mul3A_14, %add3A_20 : vector<5000x256xf32>
    %get3A_22 = arith.constant 0 : index
    %get3A_23 = arith.constant 0 : index
    %get3A_24 = vector.load %arg4[%get3A_22, %get3A_23] : memref<256x128xf32, #tpu.memory_space<vmem>>, vector<256x128xf32>
    %dot_general3A_25 = arith.constant dense<0.000000e+00> : vector<5000x128xf32>
    %dot_general3A_26 = tpu.matmul %mul3A_21, %get3A_24, %dot_general3A_25 {dimension_numbers = #tpu.dot_dimension_numbers<[1], [0], [0], [1], [0, 0, 1, 1], [], []>, transpose_lhs_hint = false} : vector<5000x256xf32>, vector<256x128xf32>, vector<5000x128xf32> -> vector<5000x128xf32>
    %get3A_27 = arith.constant 0 : index
    %get3A_28 = arith.constant 0 : index
    %get3A_29 = vector.load %arg5[%get3A_27, %get3A_28] : memref<1x128xf32, #tpu.memory_space<vmem>>, vector<1x128xf32>
    %add3A_30 = vector.broadcast %get3A_29 : vector<1x128xf32> to vector<5000x128xf32>
    %add3A_31 = arith.addf %dot_general3A_26, %add3A_30 : vector<5000x128xf32>
    %convert_element_type3A_32 = arith.truncf %add3A_31 : vector<5000x128xf32> to vector<5000x128xbf16>
    %swap3A = arith.constant 0 : index
    %swap3A_33 = arith.constant 0 : index
    %swap3A_34 = vector.load %arg8[%swap3A, %swap3A_33] : memref<5000x128xbf16, #tpu.memory_space<vmem>>, vector<5000x128xbf16>
    tpu.vector_store %arg8[%swap3A, %swap3A_33], %convert_element_type3A_32 {strides = array<i32>} : memref<5000x128xbf16, #tpu.memory_space<vmem>>, vector<5000x128xbf16>,
    %get3A_35 = arith.constant 0 : index
    %get3A_36 = arith.constant 0 : index
    %get3A_37 = vector.load %arg11[%get3A_35, %get3A_36] : memref<1x128xf32, #tpu.memory_space<vmem>>, vector<1x128xf32>
    %reduce_sum3A = arith.constant dense<0.000000e+00> : vector<128xf32>
    %reduce_sum3A_38 = vector.multi_reduction <add>, %add3A_31, %reduce_sum3A [0] : vector<5000x128xf32> to vector<128xf32>
    %broadcast_in_dim3A = vector.shape_cast %reduce_sum3A_38 : vector<128xf32> to vector<1x128xf32>
    %add3A_39 = arith.addf %get3A_37, %broadcast_in_dim3A : vector<1x128xf32>
    %swap3A_40 = arith.constant 0 : index
    %swap3A_41 = arith.constant 0 : index
    %swap3A_42 = vector.load %arg11[%swap3A_40, %swap3A_41] : memref<1x128xf32, #tpu.memory_space<vmem>>, vector<1x128xf32>
    tpu.vector_store %arg11[%swap3A_40, %swap3A_41], %add3A_39 {strides = array<i32>} : memref<1x128xf32, #tpu.memory_space<vmem>>, vector<1x128xf32>,
    %get3A_43 = arith.constant 0 : index
    %get3A_44 = arith.constant 0 : index
    %get3A_45 = vector.load %arg12[%get3A_43, %get3A_44] : memref<1x128xf32, #tpu.memory_space<vmem>>, vector<1x128xf32>
    %mul3A_46 = arith.mulf %add3A_31, %add3A_31 : vector<5000x128xf32>
    %reduce_sum3A_47 = arith.constant dense<0.000000e+00> : vector<128xf32>
    %reduce_sum3A_48 = vector.multi_reduction <add>, %mul3A_46, %reduce_sum3A_47 [0] : vector<5000x128xf32> to vector<128xf32>
    %broadcast_in_dim3A_49 = vector.shape_cast %reduce_sum3A_48 : vector<128xf32> to vector<1x128xf32>
    %add3A_50 = arith.addf %get3A_45, %broadcast_in_dim3A_49 : vector<1x128xf32>
    %swap3A_51 = arith.constant 0 : index
    %swap3A_52 = arith.constant 0 : index
    %swap3A_53 = vector.load %arg12[%swap3A_51, %swap3A_52] : memref<1x128xf32, #tpu.memory_space<vmem>>, vector<1x128xf32>
    tpu.vector_store %arg12[%swap3A_51, %swap3A_52], %add3A_50 {strides = array<i32>} : memref<1x128xf32, #tpu.memory_space<vmem>>, vector<1x128xf32>,
    %eq3A_54 = arith.constant 1 : i32
    %eq3A_55 = arith.cmpi eq, %arg0, %eq3A_54 : i32
    %convert_element_type3A_56 = arith.extui %eq3A_55 : i1 to i32
    %cond3A_57 = arith.constant 0 : i32
    %cond3A_58 = arith.cmpi ne, %convert_element_type3A_56, %cond3A_57 : i32
    scf.if %cond3A_58 {
      %get3A_59 = arith.constant 0 : index
      %get3A_60 = arith.constant 0 : index
      %get3A_61 = vector.load %arg11[%get3A_59, %get3A_60] : memref<1x128xf32, #tpu.memory_space<vmem>>, vector<1x128xf32>
      %mul3A_62 = arith.constant 9.99999974E-5 : f32
      %mul3A_63 = vector.broadcast %mul3A_62 : f32 to vector<1x128xf32>
      %mul3A_64 = arith.mulf %get3A_61, %mul3A_63 : vector<1x128xf32>
      %get3A_65 = arith.constant 0 : index
      %get3A_66 = arith.constant 0 : index
      %get3A_67 = vector.load %arg12[%get3A_65, %get3A_66] : memref<1x128xf32, #tpu.memory_space<vmem>>, vector<1x128xf32>
      %mul3A_68 = arith.constant 9.99999974E-5 : f32
      %mul3A_69 = vector.broadcast %mul3A_68 : f32 to vector<1x128xf32>
      %mul3A_70 = arith.mulf %get3A_67, %mul3A_69 : vector<1x128xf32>
      %mul3A_71 = arith.mulf %mul3A_64, %mul3A_64 : vector<1x128xf32>
      %sub3A = arith.subf %mul3A_70, %mul3A_71 : vector<1x128xf32>
      %get3A_72 = arith.constant 0 : index
      %get3A_73 = arith.constant 0 : index
      %get3A_74 = vector.load %arg6[%get3A_72, %get3A_73] : memref<1x128xf32, #tpu.memory_space<vmem>>, vector<1x128xf32>
      %add3A_75 = arith.constant 9.99999974E-6 : f32
      %add3A_76 = vector.broadcast %add3A_75 : f32 to vector<1x128xf32>
      %add3A_77 = arith.addf %sub3A, %add3A_76 : vector<1x128xf32>
      %rsqrt3A = math.rsqrt %add3A_77 : vector<1x128xf32>
      %mul3A_78 = arith.mulf %get3A_74, %rsqrt3A : vector<1x128xf32>
      %swap3A_79 = arith.constant 0 : index
      %swap3A_80 = arith.constant 0 : index
      %swap3A_81 = vector.load %arg9[%swap3A_79, %swap3A_80] : memref<1x128xf32, #tpu.memory_space<vmem>>, vector<1x128xf32>
      tpu.vector_store %arg9[%swap3A_79, %swap3A_80], %mul3A_78 {strides = array<i32>} : memref<1x128xf32, #tpu.memory_space<vmem>>, vector<1x128xf32>,
      %get3A_82 = arith.constant 0 : index
      %get3A_83 = arith.constant 0 : index
      %get3A_84 = vector.load %arg7[%get3A_82, %get3A_83] : memref<1x128xf32, #tpu.memory_space<vmem>>, vector<1x128xf32>
      %mul3A_85 = arith.mulf %mul3A_64, %mul3A_78 : vector<1x128xf32>
      %sub3A_86 = arith.subf %get3A_84, %mul3A_85 : vector<1x128xf32>
      %swap3A_87 = arith.constant 0 : index
      %swap3A_88 = arith.constant 0 : index
      %swap3A_89 = vector.load %arg10[%swap3A_87, %swap3A_88] : memref<1x128xf32, #tpu.memory_space<vmem>>, vector<1x128xf32>
      tpu.vector_store %arg10[%swap3A_87, %swap3A_88], %sub3A_86 {strides = array<i32>} : memref<1x128xf32, #tpu.memory_space<vmem>>, vector<1x128xf32>,
    } else {
    }
    return
  }
  func.func @transform_0(%arg0: i32) -> (i32, i32) {
    %c0_i32 = arith.constant 0 : i32
    %c0_i32_0 = arith.constant 0 : i32
    return %arg0, %c0_i32 : i32, i32
  }
  func.func @transform_1(%arg0: i32) -> (i32, i32) {
    %c0_i32 = arith.constant 0 : i32
    %c0_i32_0 = arith.constant 0 : i32
    %c0_i32_1 = arith.constant 0 : i32
    return %c0_i32, %c0_i32_0 : i32, i32
  }
  func.func @transform_2(%arg0: i32) -> (i32, i32) {
    %c0_i32 = arith.constant 0 : i32
    %c0_i32_0 = arith.constant 0 : i32
    %c0_i32_1 = arith.constant 0 : i32
    return %c0_i32, %c0_i32_0 : i32, i32
  }
  func.func @transform_3(%arg0: i32) -> (i32, i32) {
    %c0_i32 = arith.constant 0 : i32
    %c0_i32_0 = arith.constant 0 : i32
    %c0_i32_1 = arith.constant 0 : i32
    return %c0_i32, %c0_i32_0 : i32, i32
  }
  func.func @transform_4(%arg0: i32) -> (i32, i32) {
    %c0_i32 = arith.constant 0 : i32
    %c0_i32_0 = arith.constant 0 : i32
    %c0_i32_1 = arith.constant 0 : i32
    return %c0_i32, %c0_i32_0 : i32, i32
  }
  func.func @transform_5(%arg0: i32) -> (i32, i32) {
    %c0_i32 = arith.constant 0 : i32
    %c0_i32_0 = arith.constant 0 : i32
    %c0_i32_1 = arith.constant 0 : i32
    return %c0_i32, %c0_i32_0 : i32, i32
  }
  func.func @transform_6(%arg0: i32) -> (i32, i32) {
    %c0_i32 = arith.constant 0 : i32
    %c0_i32_0 = arith.constant 0 : i32
    %c0_i32_1 = arith.constant 0 : i32
    return %c0_i32, %c0_i32_0 : i32, i32
  }
  func.func @transform_7(%arg0: i32) -> (i32, i32) {
    %c0_i32 = arith.constant 0 : i32
    %c0_i32_0 = arith.constant 0 : i32
    return %arg0, %c0_i32 : i32, i32
  }
  func.func @transform_8(%arg0: i32) -> (i32, i32) {
    %c0_i32 = arith.constant 0 : i32
    %c0_i32_0 = arith.constant 0 : i32
    %c0_i32_1 = arith.constant 0 : i32
    return %c0_i32, %c0_i32_0 : i32, i32
  }
  func.func @transform_9(%arg0: i32) -> (i32, i32) {
    %c0_i32 = arith.constant 0 : i32
    %c0_i32_0 = arith.constant 0 : i32
    %c0_i32_1 = arith.constant 0 : i32
    return %c0_i32, %c0_i32_0 : i32, i32
  }
}

module attributes {stable_mosaic.version = 14 : i64} {
  func.func @_k6_body(%arg0: i32, %arg1: memref<5000x128xbf16, #tpu.memory_space<vmem>>, %arg2: memref<1x128xf32, #tpu.memory_space<vmem>>, %arg3: memref<1x128xf32, #tpu.memory_space<vmem>>, %arg4: memref<5000x128xbf16, #tpu.memory_space<vmem>>, %arg5: memref<5000x128xf32, #tpu.memory_space<vmem>>, %arg6: memref<128x512xf32, #tpu.memory_space<vmem>>, %arg7: memref<1x512xf32, #tpu.memory_space<vmem>>, %arg8: memref<1x512xf32, #tpu.memory_space<vmem>>, %arg9: memref<1x512xf32, #tpu.memory_space<vmem>>, %arg10: memref<5000x128xbf16, #tpu.memory_space<vmem>>, %arg11: memref<128x512xf32, #tpu.memory_space<vmem>>, %arg12: memref<1x512xf32, #tpu.memory_space<vmem>>, %arg13: memref<128x128xf32, #tpu.memory_space<vmem>>, %arg14: memref<1x128xf32, #tpu.memory_space<vmem>>) attributes {dimension_semantics = [#tpu.dimension_semantics<arbitrary>], iteration_bounds = array<i64: 2>, scalar_prefetch = 0 : i64, scratch_operands = 2 : i64, tpu.core_type = #tpu.core_type<tc>, window_params = [{transform_indices = @transform_0, window_bounds = array<i64: 5000, 128>}, {pipeline_mode = #tpu.pipeline_mode<synchronous>, transform_indices = @transform_1, window_bounds = array<i64: 1, 128>}, {pipeline_mode = #tpu.pipeline_mode<synchronous>, transform_indices = @transform_2, window_bounds = array<i64: 1, 128>}, {transform_indices = @transform_3, window_bounds = array<i64: 5000, 128>}, {transform_indices = @transform_4, window_bounds = array<i64: 5000, 128>}, {pipeline_mode = #tpu.pipeline_mode<synchronous>, transform_indices = @transform_5, window_bounds = array<i64: 128, 512>}, {pipeline_mode = #tpu.pipeline_mode<synchronous>, transform_indices = @transform_6, window_bounds = array<i64: 1, 512>}, {pipeline_mode = #tpu.pipeline_mode<synchronous>, transform_indices = @transform_7, window_bounds = array<i64: 1, 512>}, {pipeline_mode = #tpu.pipeline_mode<synchronous>, transform_indices = @transform_8, window_bounds = array<i64: 1, 512>}, {transform_indices = @transform_9, window_bounds = array<i64: 5000, 128>}, {pipeline_mode = #tpu.pipeline_mode<synchronous>, transform_indices = @transform_10, window_bounds = array<i64: 128, 512>}, {pipeline_mode = #tpu.pipeline_mode<synchronous>, transform_indices = @transform_11, window_bounds = array<i64: 1, 512>}]} {
    %eq3A = arith.constant 0 : i32
    %eq3A_0 = arith.cmpi eq, %arg0, %eq3A : i32
    %convert_element_type3A = arith.extui %eq3A_0 : i1 to i32
    %cond3A = arith.constant 0 : i32
    %cond3A_1 = arith.cmpi ne, %convert_element_type3A, %cond3A : i32
    scf.if %cond3A_1 {
      %broadcast_in_dim3A_46 = arith.constant 0.000000e+00 : f32
      %broadcast_in_dim3A_47 = vector.broadcast %broadcast_in_dim3A_46 : f32 to vector<128x128xf32>
      %swap3A_48 = arith.constant 0 : index
      %swap3A_49 = arith.constant 0 : index
      %swap3A_50 = vector.load %arg13[%swap3A_48, %swap3A_49] : memref<128x128xf32, #tpu.memory_space<vmem>>, vector<128x128xf32>
      tpu.vector_store %arg13[%swap3A_48, %swap3A_49], %broadcast_in_dim3A_47 {strides = array<i32>} : memref<128x128xf32, #tpu.memory_space<vmem>>, vector<128x128xf32>,
      %broadcast_in_dim3A_51 = arith.constant 0.000000e+00 : f32
      %broadcast_in_dim3A_52 = vector.broadcast %broadcast_in_dim3A_51 : f32 to vector<1x128xf32>
      %swap3A_53 = arith.constant 0 : index
      %swap3A_54 = arith.constant 0 : index
      %swap3A_55 = vector.load %arg14[%swap3A_53, %swap3A_54] : memref<1x128xf32, #tpu.memory_space<vmem>>, vector<1x128xf32>
      tpu.vector_store %arg14[%swap3A_53, %swap3A_54], %broadcast_in_dim3A_52 {strides = array<i32>} : memref<1x128xf32, #tpu.memory_space<vmem>>, vector<1x128xf32>,
    } else {
    }
    %get3A = arith.constant 0 : index
    %get3A_2 = arith.constant 0 : index
    %get3A_3 = vector.load %arg1[%get3A, %get3A_2] : memref<5000x128xbf16, #tpu.memory_space<vmem>>, vector<5000x128xbf16>
    %convert_element_type3A_4 = arith.extf %get3A_3 : vector<5000x128xbf16> to vector<5000x128xf32>
    %get3A_5 = arith.constant 0 : index
    %get3A_6 = arith.constant 0 : index
    %get3A_7 = vector.load %arg2[%get3A_5, %get3A_6] : memref<1x128xf32, #tpu.memory_space<vmem>>, vector<1x128xf32>
    %mul3A = vector.broadcast %get3A_7 : vector<1x128xf32> to vector<5000x128xf32>
    %mul3A_8 = arith.mulf %convert_element_type3A_4, %mul3A : vector<5000x128xf32>
    %get3A_9 = arith.constant 0 : index
    %get3A_10 = arith.constant 0 : index
    %get3A_11 = vector.load %arg3[%get3A_9, %get3A_10] : memref<1x128xf32, #tpu.memory_space<vmem>>, vector<1x128xf32>
    %add3A = vector.broadcast %get3A_11 : vector<1x128xf32> to vector<5000x128xf32>
    %add3A_12 = arith.addf %mul3A_8, %add3A : vector<5000x128xf32>
    %get3A_13 = arith.constant 0 : index
    %get3A_14 = arith.constant 0 : index
    %get3A_15 = vector.load %arg4[%get3A_13, %get3A_14] : memref<5000x128xbf16, #tpu.memory_space<vmem>>, vector<5000x128xbf16>
    %convert_element_type3A_16 = arith.extf %get3A_15 : vector<5000x128xbf16> to vector<5000x128xf32>
    %add3A_17 = arith.addf %add3A_12, %convert_element_type3A_16 : vector<5000x128xf32>
    %get3A_18 = arith.constant 0 : index
    %get3A_19 = arith.constant 0 : index
    %get3A_20 = vector.load %arg5[%get3A_18, %get3A_19] : memref<5000x128xf32, #tpu.memory_space<vmem>>, vector<5000x128xf32>
    %add3A_21 = arith.addf %add3A_17, %get3A_20 : vector<5000x128xf32>
    %convert_element_type3A_22 = arith.truncf %add3A_21 : vector<5000x128xf32> to vector<5000x128xbf16>
    %swap3A = arith.constant 0 : index
    %swap3A_23 = arith.constant 0 : index
    %swap3A_24 = vector.load %arg10[%swap3A, %swap3A_23] : memref<5000x128xbf16, #tpu.memory_space<vmem>>, vector<5000x128xbf16>
    tpu.vector_store %arg10[%swap3A, %swap3A_23], %convert_element_type3A_22 {strides = array<i32>} : memref<5000x128xbf16, #tpu.memory_space<vmem>>, vector<5000x128xbf16>,
    %get3A_25 = arith.constant 0 : index
    %get3A_26 = arith.constant 0 : index
    %get3A_27 = vector.load %arg13[%get3A_25, %get3A_26] : memref<128x128xf32, #tpu.memory_space<vmem>>, vector<128x128xf32>
    %dot_general3A = arith.constant dense<0.000000e+00> : vector<128x128xf32>
    %dot_general3A_28 = tpu.matmul %add3A_21, %add3A_21, %dot_general3A {dimension_numbers = #tpu.dot_dimension_numbers<[0], [0], [1], [1], [0, 1, 1, 1], [], []>, transpose_lhs_hint = false} : vector<5000x128xf32>, vector<5000x128xf32>, vector<128x128xf32> -> vector<128x128xf32>
    %add3A_29 = arith.addf %get3A_27, %dot_general3A_28 : vector<128x128xf32>
    %swap3A_30 = arith.constant 0 : index
    %swap3A_31 = arith.constant 0 : index
    %swap3A_32 = vector.load %arg13[%swap3A_30, %swap3A_31] : memref<128x128xf32, #tpu.memory_space<vmem>>, vector<128x128xf32>
    tpu.vector_store %arg13[%swap3A_30, %swap3A_31], %add3A_29 {strides = array<i32>} : memref<128x128xf32, #tpu.memory_space<vmem>>, vector<128x128xf32>,
    %get3A_33 = arith.constant 0 : index
    %get3A_34 = arith.constant 0 : index
    %get3A_35 = vector.load %arg14[%get3A_33, %get3A_34] : memref<1x128xf32, #tpu.memory_space<vmem>>, vector<1x128xf32>
    %reduce_sum3A = arith.constant dense<0.000000e+00> : vector<128xf32>
    %reduce_sum3A_36 = vector.multi_reduction <add>, %add3A_21, %reduce_sum3A [0] : vector<5000x128xf32> to vector<128xf32>
    %broadcast_in_dim3A = vector.shape_cast %reduce_sum3A_36 : vector<128xf32> to vector<1x128xf32>
    %add3A_37 = arith.addf %get3A_35, %broadcast_in_dim3A : vector<1x128xf32>
    %swap3A_38 = arith.constant 0 : index
    %swap3A_39 = arith.constant 0 : index
    %swap3A_40 = vector.load %arg14[%swap3A_38, %swap3A_39] : memref<1x128xf32, #tpu.memory_space<vmem>>, vector<1x128xf32>
    tpu.vector_store %arg14[%swap3A_38, %swap3A_39], %add3A_37 {strides = array<i32>} : memref<1x128xf32, #tpu.memory_space<vmem>>, vector<1x128xf32>,
    %eq3A_41 = arith.constant 1 : i32
    %eq3A_42 = arith.cmpi eq, %arg0, %eq3A_41 : i32
    %convert_element_type3A_43 = arith.extui %eq3A_42 : i1 to i32
    %cond3A_44 = arith.constant 0 : i32
    %cond3A_45 = arith.cmpi ne, %convert_element_type3A_43, %cond3A_44 : i32
    scf.if %cond3A_45 {
      %get3A_46 = arith.constant 0 : index
      %get3A_47 = arith.constant 0 : index
      %get3A_48 = vector.load %arg13[%get3A_46, %get3A_47] : memref<128x128xf32, #tpu.memory_space<vmem>>, vector<128x128xf32>
      %get3A_49 = arith.constant 0 : index
      %get3A_50 = arith.constant 0 : index
      %get3A_51 = vector.load %arg14[%get3A_49, %get3A_50] : memref<1x128xf32, #tpu.memory_space<vmem>>, vector<1x128xf32>
      %get3A_52 = arith.constant 0 : index
      %get3A_53 = arith.constant 0 : index
      %get3A_54 = vector.load %arg6[%get3A_52, %get3A_53] : memref<128x512xf32, #tpu.memory_space<vmem>>, vector<128x512xf32>
      %get3A_55 = arith.constant 0 : index
      %get3A_56 = arith.constant 0 : index
      %get3A_57 = vector.load %arg7[%get3A_55, %get3A_56] : memref<1x512xf32, #tpu.memory_space<vmem>>, vector<1x512xf32>
      %get3A_58 = arith.constant 0 : index
      %get3A_59 = arith.constant 0 : index
      %get3A_60 = vector.load %arg8[%get3A_58, %get3A_59] : memref<1x512xf32, #tpu.memory_space<vmem>>, vector<1x512xf32>
      %get3A_61 = arith.constant 0 : index
      %get3A_62 = arith.constant 0 : index
      %get3A_63 = vector.load %arg9[%get3A_61, %get3A_62] : memref<1x512xf32, #tpu.memory_space<vmem>>, vector<1x512xf32>
      %mul3A_64 = arith.constant 9.99999974E-5 : f32
      %mul3A_65 = vector.broadcast %mul3A_64 : f32 to vector<1x128xf32>
      %mul3A_66 = arith.mulf %get3A_51, %mul3A_65 : vector<1x128xf32>
      %dot_general3A_67 = arith.constant dense<0.000000e+00> : vector<1x512xf32>
      %dot_general3A_68 = tpu.matmul %mul3A_66, %get3A_54, %dot_general3A_67 {dimension_numbers = #tpu.dot_dimension_numbers<[1], [0], [0], [1], [0, 0, 1, 1], [], []>, transpose_lhs_hint = false} : vector<1x128xf32>, vector<128x512xf32>, vector<1x512xf32> -> vector<1x512xf32>
      %add3A_69 = arith.addf %dot_general3A_68, %get3A_57 : vector<1x512xf32>
      %dot_general3A_70 = arith.constant dense<0.000000e+00> : vector<128x512xf32>
      %dot_general3A_71 = tpu.matmul %get3A_48, %get3A_54, %dot_general3A_70 {dimension_numbers = #tpu.dot_dimension_numbers<[1], [0], [0], [1], [0, 0, 1, 1], [], []>, transpose_lhs_hint = false} : vector<128x128xf32>, vector<128x512xf32>, vector<128x512xf32> -> vector<128x512xf32>
      %mul3A_72 = arith.constant 9.99999974E-5 : f32
      %mul3A_73 = vector.broadcast %mul3A_72 : f32 to vector<128x512xf32>
      %mul3A_74 = arith.mulf %dot_general3A_71, %mul3A_73 : vector<128x512xf32>
      %mul3A_75 = arith.mulf %get3A_54, %mul3A_74 : vector<128x512xf32>
      %reduce_sum3A_76 = arith.constant dense<0.000000e+00> : vector<512xf32>
      %reduce_sum3A_77 = vector.multi_reduction <add>, %mul3A_75, %reduce_sum3A_76 [0] : vector<128x512xf32> to vector<512xf32>
      %broadcast_in_dim3A_78 = vector.shape_cast %reduce_sum3A_77 : vector<512xf32> to vector<1x512xf32>
      %mul3A_79 = arith.mulf %dot_general3A_68, %dot_general3A_68 : vector<1x512xf32>
      %sub3A = arith.subf %broadcast_in_dim3A_78, %mul3A_79 : vector<1x512xf32>
      %add3A_80 = arith.constant 9.99999974E-6 : f32
      %add3A_81 = vector.broadcast %add3A_80 : f32 to vector<1x512xf32>
      %add3A_82 = arith.addf %sub3A, %add3A_81 : vector<1x512xf32>
      %rsqrt3A = math.rsqrt %add3A_82 : vector<1x512xf32>
      %mul3A_83 = arith.mulf %get3A_60, %rsqrt3A : vector<1x512xf32>
      %mul3A_84 = vector.broadcast %mul3A_83 : vector<1x512xf32> to vector<128x512xf32>
      %mul3A_85 = arith.mulf %get3A_54, %mul3A_84 : vector<128x512xf32>
      %sub3A_86 = arith.subf %get3A_57, %add3A_69 : vector<1x512xf32>
      %mul3A_87 = arith.mulf %sub3A_86, %mul3A_83 : vector<1x512xf32>
      %add3A_88 = arith.addf %mul3A_87, %get3A_63 : vector<1x512xf32>
      %swap3A_89 = arith.constant 0 : index
      %swap3A_90 = arith.constant 0 : index
      %swap3A_91 = vector.load %arg11[%swap3A_89, %swap3A_90] : memref<128x512xf32, #tpu.memory_space<vmem>>, vector<128x512xf32>
      tpu.vector_store %arg11[%swap3A_89, %swap3A_90], %mul3A_85 {strides = array<i32>} : memref<128x512xf32, #tpu.memory_space<vmem>>, vector<128x512xf32>,
      %swap3A_92 = arith.constant 0 : index
      %swap3A_93 = arith.constant 0 : index
      %swap3A_94 = vector.load %arg12[%swap3A_92, %swap3A_93] : memref<1x512xf32, #tpu.memory_space<vmem>>, vector<1x512xf32>
      tpu.vector_store %arg12[%swap3A_92, %swap3A_93], %add3A_88 {strides = array<i32>} : memref<1x512xf32, #tpu.memory_space<vmem>>, vector<1x512xf32>,
    } else {
    }
    return
  }
  func.func @transform_0(%arg0: i32) -> (i32, i32) {
    %c0_i32 = arith.constant 0 : i32
    %c0_i32_0 = arith.constant 0 : i32
    return %arg0, %c0_i32 : i32, i32
  }
  func.func @transform_1(%arg0: i32) -> (i32, i32) {
    %c0_i32 = arith.constant 0 : i32
    %c0_i32_0 = arith.constant 0 : i32
    %c0_i32_1 = arith.constant 0 : i32
    return %c0_i32, %c0_i32_0 : i32, i32
  }
  func.func @transform_2(%arg0: i32) -> (i32, i32) {
    %c0_i32 = arith.constant 0 : i32
    %c0_i32_0 = arith.constant 0 : i32
    %c0_i32_1 = arith.constant 0 : i32
    return %c0_i32, %c0_i32_0 : i32, i32
  }
  func.func @transform_3(%arg0: i32) -> (i32, i32) {
    %c0_i32 = arith.constant 0 : i32
    %c0_i32_0 = arith.constant 0 : i32
    return %arg0, %c0_i32 : i32, i32
  }
  func.func @transform_4(%arg0: i32) -> (i32, i32) {
    %c0_i32 = arith.constant 0 : i32
    %c0_i32_0 = arith.constant 0 : i32
    return %arg0, %c0_i32 : i32, i32
  }
  func.func @transform_5(%arg0: i32) -> (i32, i32) {
    %c0_i32 = arith.constant 0 : i32
    %c0_i32_0 = arith.constant 0 : i32
    %c0_i32_1 = arith.constant 0 : i32
    return %c0_i32, %c0_i32_0 : i32, i32
  }
  func.func @transform_6(%arg0: i32) -> (i32, i32) {
    %c0_i32 = arith.constant 0 : i32
    %c0_i32_0 = arith.constant 0 : i32
    %c0_i32_1 = arith.constant 0 : i32
    return %c0_i32, %c0_i32_0 : i32, i32
  }
  func.func @transform_7(%arg0: i32) -> (i32, i32) {
    %c0_i32 = arith.constant 0 : i32
    %c0_i32_0 = arith.constant 0 : i32
    %c0_i32_1 = arith.constant 0 : i32
    return %c0_i32, %c0_i32_0 : i32, i32
  }
  func.func @transform_8(%arg0: i32) -> (i32, i32) {
    %c0_i32 = arith.constant 0 : i32
    %c0_i32_0 = arith.constant 0 : i32
    %c0_i32_1 = arith.constant 0 : i32
    return %c0_i32, %c0_i32_0 : i32, i32
  }
  func.func @transform_9(%arg0: i32) -> (i32, i32) {
    %c0_i32 = arith.constant 0 : i32
    %c0_i32_0 = arith.constant 0 : i32
    return %arg0, %c0_i32 : i32, i32
  }
  func.func @transform_10(%arg0: i32) -> (i32, i32) {
    %c0_i32 = arith.constant 0 : i32
    %c0_i32_0 = arith.constant 0 : i32
    %c0_i32_1 = arith.constant 0 : i32
    return %c0_i32, %c0_i32_0 : i32, i32
  }
  func.func @transform_11(%arg0: i32) -> (i32, i32) {
    %c0_i32 = arith.constant 0 : i32
    %c0_i32_0 = arith.constant 0 : i32
    %c0_i32_1 = arith.constant 0 : i32
    return %c0_i32, %c0_i32_0 : i32, i32
  }
}

module attributes {stable_mosaic.version = 14 : i64} {
  func.func @_k7_body(%arg0: i32, %arg1: memref<5000x128xbf16, #tpu.memory_space<vmem>>, %arg2: memref<128x512xf32, #tpu.memory_space<vmem>>, %arg3: memref<1x512xf32, #tpu.memory_space<vmem>>, %arg4: memref<512x128xf32, #tpu.memory_space<vmem>>, %arg5: memref<1x128xf32, #tpu.memory_space<vmem>>, %arg6: memref<1x128xf32, #tpu.memory_space<vmem>>, %arg7: memref<1x128xf32, #tpu.memory_space<vmem>>, %arg8: memref<5000x128xbf16, #tpu.memory_space<vmem>>, %arg9: memref<1x128xf32, #tpu.memory_space<vmem>>, %arg10: memref<1x128xf32, #tpu.memory_space<vmem>>, %arg11: memref<1x128xf32, #tpu.memory_space<vmem>>, %arg12: memref<1x128xf32, #tpu.memory_space<vmem>>) attributes {dimension_semantics = [#tpu.dimension_semantics<arbitrary>], iteration_bounds = array<i64: 2>, scalar_prefetch = 0 : i64, scratch_operands = 2 : i64, tpu.core_type = #tpu.core_type<tc>, window_params = [{transform_indices = @transform_0, window_bounds = array<i64: 5000, 128>}, {pipeline_mode = #tpu.pipeline_mode<synchronous>, transform_indices = @transform_1, window_bounds = array<i64: 128, 512>}, {pipeline_mode = #tpu.pipeline_mode<synchronous>, transform_indices = @transform_2, window_bounds = array<i64: 1, 512>}, {pipeline_mode = #tpu.pipeline_mode<synchronous>, transform_indices = @transform_3, window_bounds = array<i64: 512, 128>}, {pipeline_mode = #tpu.pipeline_mode<synchronous>, transform_indices = @transform_4, window_bounds = array<i64: 1, 128>}, {pipeline_mode = #tpu.pipeline_mode<synchronous>, transform_indices = @transform_5, window_bounds = array<i64: 1, 128>}, {pipeline_mode = #tpu.pipeline_mode<synchronous>, transform_indices = @transform_6, window_bounds = array<i64: 1, 128>}, {transform_indices = @transform_7, window_bounds = array<i64: 5000, 128>}, {pipeline_mode = #tpu.pipeline_mode<synchronous>, transform_indices = @transform_8, window_bounds = array<i64: 1, 128>}, {pipeline_mode = #tpu.pipeline_mode<synchronous>, transform_indices = @transform_9, window_bounds = array<i64: 1, 128>}]} {
    %eq3A = arith.constant 0 : i32
    %eq3A_0 = arith.cmpi eq, %arg0, %eq3A : i32
    %convert_element_type3A = arith.extui %eq3A_0 : i1 to i32
    %cond3A = arith.constant 0 : i32
    %cond3A_1 = arith.cmpi ne, %convert_element_type3A, %cond3A : i32
    scf.if %cond3A_1 {
      %broadcast_in_dim3A_59 = arith.constant 0.000000e+00 : f32
      %broadcast_in_dim3A_60 = vector.broadcast %broadcast_in_dim3A_59 : f32 to vector<1x128xf32>
      %swap3A_61 = arith.constant 0 : index
      %swap3A_62 = arith.constant 0 : index
      %swap3A_63 = vector.load %arg11[%swap3A_61, %swap3A_62] : memref<1x128xf32, #tpu.memory_space<vmem>>, vector<1x128xf32>
      tpu.vector_store %arg11[%swap3A_61, %swap3A_62], %broadcast_in_dim3A_60 {strides = array<i32>} : memref<1x128xf32, #tpu.memory_space<vmem>>, vector<1x128xf32>,
      %broadcast_in_dim3A_64 = arith.constant 0.000000e+00 : f32
      %broadcast_in_dim3A_65 = vector.broadcast %broadcast_in_dim3A_64 : f32 to vector<1x128xf32>
      %swap3A_66 = arith.constant 0 : index
      %swap3A_67 = arith.constant 0 : index
      %swap3A_68 = vector.load %arg12[%swap3A_66, %swap3A_67] : memref<1x128xf32, #tpu.memory_space<vmem>>, vector<1x128xf32>
      tpu.vector_store %arg12[%swap3A_66, %swap3A_67], %broadcast_in_dim3A_65 {strides = array<i32>} : memref<1x128xf32, #tpu.memory_space<vmem>>, vector<1x128xf32>,
    } else {
    }
    %get3A = arith.constant 0 : index
    %get3A_2 = arith.constant 0 : index
    %get3A_3 = vector.load %arg1[%get3A, %get3A_2] : memref<5000x128xbf16, #tpu.memory_space<vmem>>, vector<5000x128xbf16>
    %convert_element_type3A_4 = arith.extf %get3A_3 : vector<5000x128xbf16> to vector<5000x128xf32>
    %get3A_5 = arith.constant 0 : index
    %get3A_6 = arith.constant 0 : index
    %get3A_7 = vector.load %arg2[%get3A_5, %get3A_6] : memref<128x512xf32, #tpu.memory_space<vmem>>, vector<128x512xf32>
    %dot_general3A = arith.constant dense<0.000000e+00> : vector<5000x512xf32>
    %dot_general3A_8 = tpu.matmul %convert_element_type3A_4, %get3A_7, %dot_general3A {dimension_numbers = #tpu.dot_dimension_numbers<[1], [0], [0], [1], [0, 0, 1, 1], [], []>, transpose_lhs_hint = false} : vector<5000x128xf32>, vector<128x512xf32>, vector<5000x512xf32> -> vector<5000x512xf32>
    %get3A_9 = arith.constant 0 : index
    %get3A_10 = arith.constant 0 : index
    %get3A_11 = vector.load %arg3[%get3A_9, %get3A_10] : memref<1x512xf32, #tpu.memory_space<vmem>>, vector<1x512xf32>
    %add3A = vector.broadcast %get3A_11 : vector<1x512xf32> to vector<5000x512xf32>
    %add3A_12 = arith.addf %dot_general3A_8, %add3A : vector<5000x512xf32>
    %mul3A = arith.constant 5.000000e-01 : f32
    %mul3A_13 = vector.broadcast %mul3A : f32 to vector<5000x512xf32>
    %mul3A_14 = arith.mulf %mul3A_13, %add3A_12 : vector<5000x512xf32>
    %mul3A_15 = arith.constant 0.707106769 : f32
    %mul3A_16 = vector.broadcast %mul3A_15 : f32 to vector<5000x512xf32>
    %mul3A_17 = arith.mulf %add3A_12, %mul3A_16 : vector<5000x512xf32>
    %erf3A = math.erf %mul3A_17 : vector<5000x512xf32>
    %add3A_18 = arith.constant 1.000000e+00 : f32
    %add3A_19 = vector.broadcast %add3A_18 : f32 to vector<5000x512xf32>
    %add3A_20 = arith.addf %add3A_19, %erf3A : vector<5000x512xf32>
    %mul3A_21 = arith.mulf %mul3A_14, %add3A_20 : vector<5000x512xf32>
    %get3A_22 = arith.constant 0 : index
    %get3A_23 = arith.constant 0 : index
    %get3A_24 = vector.load %arg4[%get3A_22, %get3A_23] : memref<512x128xf32, #tpu.memory_space<vmem>>, vector<512x128xf32>
    %dot_general3A_25 = arith.constant dense<0.000000e+00> : vector<5000x128xf32>
    %dot_general3A_26 = tpu.matmul %mul3A_21, %get3A_24, %dot_general3A_25 {dimension_numbers = #tpu.dot_dimension_numbers<[1], [0], [0], [1], [0, 0, 1, 1], [], []>, transpose_lhs_hint = false} : vector<5000x512xf32>, vector<512x128xf32>, vector<5000x128xf32> -> vector<5000x128xf32>
    %get3A_27 = arith.constant 0 : index
    %get3A_28 = arith.constant 0 : index
    %get3A_29 = vector.load %arg5[%get3A_27, %get3A_28] : memref<1x128xf32, #tpu.memory_space<vmem>>, vector<1x128xf32>
    %add3A_30 = vector.broadcast %get3A_29 : vector<1x128xf32> to vector<5000x128xf32>
    %add3A_31 = arith.addf %dot_general3A_26, %add3A_30 : vector<5000x128xf32>
    %convert_element_type3A_32 = arith.truncf %add3A_31 : vector<5000x128xf32> to vector<5000x128xbf16>
    %swap3A = arith.constant 0 : index
    %swap3A_33 = arith.constant 0 : index
    %swap3A_34 = vector.load %arg8[%swap3A, %swap3A_33] : memref<5000x128xbf16, #tpu.memory_space<vmem>>, vector<5000x128xbf16>
    tpu.vector_store %arg8[%swap3A, %swap3A_33], %convert_element_type3A_32 {strides = array<i32>} : memref<5000x128xbf16, #tpu.memory_space<vmem>>, vector<5000x128xbf16>,
    %get3A_35 = arith.constant 0 : index
    %get3A_36 = arith.constant 0 : index
    %get3A_37 = vector.load %arg11[%get3A_35, %get3A_36] : memref<1x128xf32, #tpu.memory_space<vmem>>, vector<1x128xf32>
    %reduce_sum3A = arith.constant dense<0.000000e+00> : vector<128xf32>
    %reduce_sum3A_38 = vector.multi_reduction <add>, %add3A_31, %reduce_sum3A [0] : vector<5000x128xf32> to vector<128xf32>
    %broadcast_in_dim3A = vector.shape_cast %reduce_sum3A_38 : vector<128xf32> to vector<1x128xf32>
    %add3A_39 = arith.addf %get3A_37, %broadcast_in_dim3A : vector<1x128xf32>
    %swap3A_40 = arith.constant 0 : index
    %swap3A_41 = arith.constant 0 : index
    %swap3A_42 = vector.load %arg11[%swap3A_40, %swap3A_41] : memref<1x128xf32, #tpu.memory_space<vmem>>, vector<1x128xf32>
    tpu.vector_store %arg11[%swap3A_40, %swap3A_41], %add3A_39 {strides = array<i32>} : memref<1x128xf32, #tpu.memory_space<vmem>>, vector<1x128xf32>,
    %get3A_43 = arith.constant 0 : index
    %get3A_44 = arith.constant 0 : index
    %get3A_45 = vector.load %arg12[%get3A_43, %get3A_44] : memref<1x128xf32, #tpu.memory_space<vmem>>, vector<1x128xf32>
    %mul3A_46 = arith.mulf %add3A_31, %add3A_31 : vector<5000x128xf32>
    %reduce_sum3A_47 = arith.constant dense<0.000000e+00> : vector<128xf32>
    %reduce_sum3A_48 = vector.multi_reduction <add>, %mul3A_46, %reduce_sum3A_47 [0] : vector<5000x128xf32> to vector<128xf32>
    %broadcast_in_dim3A_49 = vector.shape_cast %reduce_sum3A_48 : vector<128xf32> to vector<1x128xf32>
    %add3A_50 = arith.addf %get3A_45, %broadcast_in_dim3A_49 : vector<1x128xf32>
    %swap3A_51 = arith.constant 0 : index
    %swap3A_52 = arith.constant 0 : index
    %swap3A_53 = vector.load %arg12[%swap3A_51, %swap3A_52] : memref<1x128xf32, #tpu.memory_space<vmem>>, vector<1x128xf32>
    tpu.vector_store %arg12[%swap3A_51, %swap3A_52], %add3A_50 {strides = array<i32>} : memref<1x128xf32, #tpu.memory_space<vmem>>, vector<1x128xf32>,
    %eq3A_54 = arith.constant 1 : i32
    %eq3A_55 = arith.cmpi eq, %arg0, %eq3A_54 : i32
    %convert_element_type3A_56 = arith.extui %eq3A_55 : i1 to i32
    %cond3A_57 = arith.constant 0 : i32
    %cond3A_58 = arith.cmpi ne, %convert_element_type3A_56, %cond3A_57 : i32
    scf.if %cond3A_58 {
      %get3A_59 = arith.constant 0 : index
      %get3A_60 = arith.constant 0 : index
      %get3A_61 = vector.load %arg11[%get3A_59, %get3A_60] : memref<1x128xf32, #tpu.memory_space<vmem>>, vector<1x128xf32>
      %mul3A_62 = arith.constant 9.99999974E-5 : f32
      %mul3A_63 = vector.broadcast %mul3A_62 : f32 to vector<1x128xf32>
      %mul3A_64 = arith.mulf %get3A_61, %mul3A_63 : vector<1x128xf32>
      %get3A_65 = arith.constant 0 : index
      %get3A_66 = arith.constant 0 : index
      %get3A_67 = vector.load %arg12[%get3A_65, %get3A_66] : memref<1x128xf32, #tpu.memory_space<vmem>>, vector<1x128xf32>
      %mul3A_68 = arith.constant 9.99999974E-5 : f32
      %mul3A_69 = vector.broadcast %mul3A_68 : f32 to vector<1x128xf32>
      %mul3A_70 = arith.mulf %get3A_67, %mul3A_69 : vector<1x128xf32>
      %mul3A_71 = arith.mulf %mul3A_64, %mul3A_64 : vector<1x128xf32>
      %sub3A = arith.subf %mul3A_70, %mul3A_71 : vector<1x128xf32>
      %get3A_72 = arith.constant 0 : index
      %get3A_73 = arith.constant 0 : index
      %get3A_74 = vector.load %arg6[%get3A_72, %get3A_73] : memref<1x128xf32, #tpu.memory_space<vmem>>, vector<1x128xf32>
      %add3A_75 = arith.constant 9.99999974E-6 : f32
      %add3A_76 = vector.broadcast %add3A_75 : f32 to vector<1x128xf32>
      %add3A_77 = arith.addf %sub3A, %add3A_76 : vector<1x128xf32>
      %rsqrt3A = math.rsqrt %add3A_77 : vector<1x128xf32>
      %mul3A_78 = arith.mulf %get3A_74, %rsqrt3A : vector<1x128xf32>
      %swap3A_79 = arith.constant 0 : index
      %swap3A_80 = arith.constant 0 : index
      %swap3A_81 = vector.load %arg9[%swap3A_79, %swap3A_80] : memref<1x128xf32, #tpu.memory_space<vmem>>, vector<1x128xf32>
      tpu.vector_store %arg9[%swap3A_79, %swap3A_80], %mul3A_78 {strides = array<i32>} : memref<1x128xf32, #tpu.memory_space<vmem>>, vector<1x128xf32>,
      %get3A_82 = arith.constant 0 : index
      %get3A_83 = arith.constant 0 : index
      %get3A_84 = vector.load %arg7[%get3A_82, %get3A_83] : memref<1x128xf32, #tpu.memory_space<vmem>>, vector<1x128xf32>
      %mul3A_85 = arith.mulf %mul3A_64, %mul3A_78 : vector<1x128xf32>
      %sub3A_86 = arith.subf %get3A_84, %mul3A_85 : vector<1x128xf32>
      %swap3A_87 = arith.constant 0 : index
      %swap3A_88 = arith.constant 0 : index
      %swap3A_89 = vector.load %arg10[%swap3A_87, %swap3A_88] : memref<1x128xf32, #tpu.memory_space<vmem>>, vector<1x128xf32>
      tpu.vector_store %arg10[%swap3A_87, %swap3A_88], %sub3A_86 {strides = array<i32>} : memref<1x128xf32, #tpu.memory_space<vmem>>, vector<1x128xf32>,
    } else {
    }
    return
  }
  func.func @transform_0(%arg0: i32) -> (i32, i32) {
    %c0_i32 = arith.constant 0 : i32
    %c0_i32_0 = arith.constant 0 : i32
    return %arg0, %c0_i32 : i32, i32
  }
  func.func @transform_1(%arg0: i32) -> (i32, i32) {
    %c0_i32 = arith.constant 0 : i32
    %c0_i32_0 = arith.constant 0 : i32
    %c0_i32_1 = arith.constant 0 : i32
    return %c0_i32, %c0_i32_0 : i32, i32
  }
  func.func @transform_2(%arg0: i32) -> (i32, i32) {
    %c0_i32 = arith.constant 0 : i32
    %c0_i32_0 = arith.constant 0 : i32
    %c0_i32_1 = arith.constant 0 : i32
    return %c0_i32, %c0_i32_0 : i32, i32
  }
  func.func @transform_3(%arg0: i32) -> (i32, i32) {
    %c0_i32 = arith.constant 0 : i32
    %c0_i32_0 = arith.constant 0 : i32
    %c0_i32_1 = arith.constant 0 : i32
    return %c0_i32, %c0_i32_0 : i32, i32
  }
  func.func @transform_4(%arg0: i32) -> (i32, i32) {
    %c0_i32 = arith.constant 0 : i32
    %c0_i32_0 = arith.constant 0 : i32
    %c0_i32_1 = arith.constant 0 : i32
    return %c0_i32, %c0_i32_0 : i32, i32
  }
  func.func @transform_5(%arg0: i32) -> (i32, i32) {
    %c0_i32 = arith.constant 0 : i32
    %c0_i32_0 = arith.constant 0 : i32
    %c0_i32_1 = arith.constant 0 : i32
    return %c0_i32, %c0_i32_0 : i32, i32
  }
  func.func @transform_6(%arg0: i32) -> (i32, i32) {
    %c0_i32 = arith.constant 0 : i32
    %c0_i32_0 = arith.constant 0 : i32
    %c0_i32_1 = arith.constant 0 : i32
    return %c0_i32, %c0_i32_0 : i32, i32
  }
  func.func @transform_7(%arg0: i32) -> (i32, i32) {
    %c0_i32 = arith.constant 0 : i32
    %c0_i32_0 = arith.constant 0 : i32
    return %arg0, %c0_i32 : i32, i32
  }
  func.func @transform_8(%arg0: i32) -> (i32, i32) {
    %c0_i32 = arith.constant 0 : i32
    %c0_i32_0 = arith.constant 0 : i32
    %c0_i32_1 = arith.constant 0 : i32
    return %c0_i32, %c0_i32_0 : i32, i32
  }
  func.func @transform_9(%arg0: i32) -> (i32, i32) {
    %c0_i32 = arith.constant 0 : i32
    %c0_i32_0 = arith.constant 0 : i32
    %c0_i32_1 = arith.constant 0 : i32
    return %c0_i32, %c0_i32_0 : i32, i32
  }
}

module attributes {stable_mosaic.version = 14 : i64} {
  func.func @_k8_body(%arg0: i32, %arg1: memref<5000x128xbf16, #tpu.memory_space<vmem>>, %arg2: memref<1x128xf32, #tpu.memory_space<vmem>>, %arg3: memref<1x128xf32, #tpu.memory_space<vmem>>, %arg4: memref<5000x128xbf16, #tpu.memory_space<vmem>>, %arg5: memref<5000x128xf32, #tpu.memory_space<vmem>>) attributes {dimension_semantics = [#tpu.dimension_semantics<arbitrary>], iteration_bounds = array<i64: 2>, scalar_prefetch = 0 : i64, scratch_operands = 0 : i64, tpu.core_type = #tpu.core_type<tc>, window_params = [{transform_indices = @transform_0, window_bounds = array<i64: 5000, 128>}, {pipeline_mode = #tpu.pipeline_mode<synchronous>, transform_indices = @transform_1, window_bounds = array<i64: 1, 128>}, {pipeline_mode = #tpu.pipeline_mode<synchronous>, transform_indices = @transform_2, window_bounds = array<i64: 1, 128>}, {transform_indices = @transform_3, window_bounds = array<i64: 5000, 128>}, {transform_indices = @transform_4, window_bounds = array<i64: 5000, 128>}]} {
    %get3A = arith.constant 0 : index
    %get3A_0 = arith.constant 0 : index
    %get3A_1 = vector.load %arg1[%get3A, %get3A_0] : memref<5000x128xbf16, #tpu.memory_space<vmem>>, vector<5000x128xbf16>
    %convert_element_type3A = arith.extf %get3A_1 : vector<5000x128xbf16> to vector<5000x128xf32>
    %get3A_2 = arith.constant 0 : index
    %get3A_3 = arith.constant 0 : index
    %get3A_4 = vector.load %arg2[%get3A_2, %get3A_3] : memref<1x128xf32, #tpu.memory_space<vmem>>, vector<1x128xf32>
    %mul3A = vector.broadcast %get3A_4 : vector<1x128xf32> to vector<5000x128xf32>
    %mul3A_5 = arith.mulf %convert_element_type3A, %mul3A : vector<5000x128xf32>
    %get3A_6 = arith.constant 0 : index
    %get3A_7 = arith.constant 0 : index
    %get3A_8 = vector.load %arg3[%get3A_6, %get3A_7] : memref<1x128xf32, #tpu.memory_space<vmem>>, vector<1x128xf32>
    %add3A = vector.broadcast %get3A_8 : vector<1x128xf32> to vector<5000x128xf32>
    %add3A_9 = arith.addf %mul3A_5, %add3A : vector<5000x128xf32>
    %get3A_10 = arith.constant 0 : index
    %get3A_11 = arith.constant 0 : index
    %get3A_12 = vector.load %arg4[%get3A_10, %get3A_11] : memref<5000x128xbf16, #tpu.memory_space<vmem>>, vector<5000x128xbf16>
    %convert_element_type3A_13 = arith.extf %get3A_12 : vector<5000x128xbf16> to vector<5000x128xf32>
    %add3A_14 = arith.addf %add3A_9, %convert_element_type3A_13 : vector<5000x128xf32>
    %swap3A = arith.constant 0 : index
    %swap3A_15 = arith.constant 0 : index
    %swap3A_16 = vector.load %arg5[%swap3A, %swap3A_15] : memref<5000x128xf32, #tpu.memory_space<vmem>>, vector<5000x128xf32>
    tpu.vector_store %arg5[%swap3A, %swap3A_15], %add3A_14 {strides = array<i32>} : memref<5000x128xf32, #tpu.memory_space<vmem>>, vector<5000x128xf32>,
    return
  }
  func.func @transform_0(%arg0: i32) -> (i32, i32) {
    %c0_i32 = arith.constant 0 : i32
    %c0_i32_0 = arith.constant 0 : i32
    return %arg0, %c0_i32 : i32, i32
  }
  func.func @transform_1(%arg0: i32) -> (i32, i32) {
    %c0_i32 = arith.constant 0 : i32
    %c0_i32_0 = arith.constant 0 : i32
    %c0_i32_1 = arith.constant 0 : i32
    return %c0_i32, %c0_i32_0 : i32, i32
  }
  func.func @transform_2(%arg0: i32) -> (i32, i32) {
    %c0_i32 = arith.constant 0 : i32
    %c0_i32_0 = arith.constant 0 : i32
    %c0_i32_1 = arith.constant 0 : i32
    return %c0_i32, %c0_i32_0 : i32, i32
  }
  func.func @transform_3(%arg0: i32) -> (i32, i32) {
    %c0_i32 = arith.constant 0 : i32
    %c0_i32_0 = arith.constant 0 : i32
    return %arg0, %c0_i32 : i32, i32
  }
  func.func @transform_4(%arg0: i32) -> (i32, i32) {
    %c0_i32 = arith.constant 0 : i32
    %c0_i32_0 = arith.constant 0 : i32
    return %arg0, %c0_i32 : i32, i32
  }
}

</mosaic_0001>

<sc_bundles>
// kernel: kernel.11.cloned.1.call-start
scs
__scs_entry_jumppad:
0x0: {  	(pc) =	sbr.rel $0x88, $3  }
0x1: {  	(tag) =	ssettag $0x0;
	lr =	simm.s32 $0x1  }
0x2: {  	[smem:$0x3F85] =	sst lr;
	_ =	strace $0xD0000000  }
0x3: {  	_ = 	snop  }
0x4: {  	_ = 	snop  }
0x5: {  	_ = 	snop  }
0x6: {  	_ = 	snop  }
0x7: {  	_ = 	snop  }
__scs_overlays_trampoline_lowered:
0x8: {  	[smem:$0x3F94] =	sst s0  }
0x9: {  	[smem:$0x3F95] =	sst s1  }
0xa: {  	[smem:$0x3F96] =	sst s2  }
0xb: {  	[smem:$0x3F97] =	sst s3  }
0xc: {  	[smem:$0x3F98] =	sst s4  }
0xd: {  	[smem:$0x3F99] =	sst s5  }
0xe: {  	[smem:$0x3F9A] =	sst s6  }
0xf: {  	[smem:$0x3F9B] =	sst s7  }
0x10: {  	[smem:$0x3F9C] =	sst s8  }
0x11: {  	[smem:$0x3F9D] =	sst s9;
	s0 =	simm.s32 @!p0 $0x0  }
0x12: {  	s1 =	sld [smem:$0x3F83];
	s0 =	simm.s32 @p0 $0x1  }
0x13: {  	[smem:$0x3F9E] =	sst s0;
	s0 =	simm.s32 @!p1 $0x0  }
0x14: {  	s2 =	sld [smem:$0x3F82];
	s0 =	simm.s32 @p1 $0x1  }
0x15: {  	[smem:$0x3F9F] =	sst s0;
	s0 =	simm.s32 @!p2 $0x0  }
0x16: {  	s3 =	sld [smem:$0x3FDB];
	s0 =	simm.s32 @p2 $0x1  }
0x17: {  	s4 =	simm.s32 $0x1BF5;
	[smem:$0x3FA1] =	sst s0  }
0x18: {  	s0 =	sld [smem:$0x3F84];
	_ =	swait.ge [sflag:s4], $0x0  }
0x19: {  	s7 =	sld [smem:$0x3F85]  }
0x1a: {  	s8 =	sadd.s32 $0xFFFFE003, lr  }
0x1b: {  	s9 =	sadd.s32 $0xFFFFFEF7, lr;
	s5 =	simm.s32 $0xFFFFFFFF;
	p2 =	slt.u32 s8, $0xFFFFF086  }
0x1c: {  	p1 =	slt.u32 s9, $0xF7A;
	s5 =	simm.s32 @!p2 $0x0  }
0x1d: {  	s5 =	simm.s32 @p1 $0x1;
	p0 =	seq.s32 s7, s2  }
0x1e: {  	s7 =	smul.u32 @!p0 $0xF7A, s2;
	p2 =	seq.s32 @!p0 s5, $0x0  }
0x1f: {  	s9 =	smul.u32 $0xF7A, s1;
	s8 =	simm.s32 @!p0 $0x1BF5;
	p2 =	por !p2, p0  }
0x20: {  	[sflag:s8] =	ssyncset.s32 @!p0 $0xFFFFF086;
	s6 =	sadd.s32 @!p0 s3, s7;
	s7 =	simm.s32 @!p0 $0x108  }
0x21: {  	s3 =	sadd.s32 s3, s9;
	s6 =	sadd.s32 @!p0 $0x88, s6;
	s7 =	simm.s32 @p2 $0x1082  }
0x22: {  	[simem:s7], [sflag:s8] =	dma.local @!p0 [hbm:s6], $0xF7A  }
0x23: {  	s9 =	sor.u32 $0xD0000000, s2;
	s6 =	simm.s32 $0x108;
	_ =	swait.ge @!p0 [sflag:s8], $0x0  }
0x24: {  	s3 =	sadd.s32 $0x88, s3;
	s6 =	simm.s32 @!p1 $0x1082;
	[sflag:s4] =	ssyncset.s32 $0xFFFFF086  }
0x25: {  	[simem:s6], [sflag:s4] =	dma.local [hbm:s3], $0xF7A  }
0x26: {  	[smem:$0x3F85] =	sst s1;
	(tag) =	ssettag s2;
	_ =	strace s9  }
0x27: {  	s1 =	sld [smem:$0x3F95]  }
0x28: {  	s2 =	sld [smem:$0x3F96]  }
0x29: {  	s4 =	sld [smem:$0x3F98]  }
0x2a: {  	p0 =	seq.s32 s5, $0x0;
	s5 =	sld [smem:$0x3F99]  }
0x2b: {  	s6 =	sld [smem:$0x3F9A]  }
0x2c: {  	s7 =	sld [smem:$0x3F9B]  }
0x2d: {  	s3 =	simm.s32 $0x108;
	s8 =	sld [smem:$0x3F9C]  }
0x2e: {  	s3 =	simm.s32 @!p0 $0x1082;
	s9 =	sld [smem:$0x3F9D]  }
0x2f: {  	lr =	sadd.s32 s0, s3;
	s0 =	sld [smem:$0x3F94]  }
0x30: {  	s3 =	sld [smem:$0x3F97]  }
0x31: {  	[smem:$0x3FA0] =	sst s10  }
0x32: {  	s10 =	sld [smem:$0x3F9E];
	_ =	sdelay $0x3  }
0x33: {  	p0 =	seq.s32 s10, $0x1;
	s10 =	sld [smem:$0x3FA0];
	_ =	sdelay $0x3  }
0x34: {  	[smem:$0x3FA0] =	sst s10  }
0x35: {  	s10 =	sld [smem:$0x3F9F];
	_ =	sdelay $0x3  }
0x36: {  	p1 =	seq.s32 s10, $0x1;
	s10 =	sld [smem:$0x3FA0];
	_ =	sdelay $0x3  }
0x37: {  	[smem:$0x3FA0] =	sst s10  }
0x38: {  	s10 =	sld [smem:$0x3FA1]  }
0x39: {  	_ = 	snop;
	(pc) =	sbr.ind lr, $3  }
0x3a: {  	_ = 	snop  }
0x3b: {  	_ = 	snop  }
0x3c: {  	p2 =	seq.s32 s10, $0x1;
	s10 =	sld [smem:$0x3FA0]  }
0x3d: {  	_ =	shalt  }
0x3e: {  	_ =	shalt  }
0x3f: {  	_ =	shalt  }
0x40: {  	_ =	shalt  }
0x41: {  	_ =	shalt  }
0x42: {  	_ =	shalt  }
0x43: {  	_ =	shalt  }
0x44: {  	_ =	shalt  }
0x45: {  	_ =	shalt  }
0x46: {  	_ =	shalt  }
0x47: {  	_ =	shalt  }
0x48: {  	_ =	shalt  }
0x49: {  	_ =	shalt  }
0x4a: {  	_ =	shalt  }
0x4b: {  	_ =	shalt  }
0x4c: {  	_ =	shalt  }
0x4d: {  	_ =	shalt  }
0x4e: {  	_ =	shalt  }
0x4f: {  	_ =	shalt  }
0x50: {  	_ =	shalt  }
0x51: {  	_ =	shalt  }
0x52: {  	_ =	shalt  }
0x53: {  	_ =	shalt  }
0x54: {  	_ =	shalt  }
0x55: {  	_ =	shalt  }
0x56: {  	_ =	shalt  }
0x57: {  	_ =	shalt  }
0x58: {  	_ =	shalt  }
0x59: {  	_ =	shalt  }
0x5a: {  	_ =	shalt  }
0x5b: {  	_ =	shalt  }
0x5c: {  	_ =	shalt  }
0x5d: {  	_ =	shalt  }
0x5e: {  	_ =	shalt  }
0x5f: {  	_ =	shalt  }
0x60: {  	_ =	shalt  }
0x61: {  	_ =	shalt  }
0x62: {  	_ =	shalt  }
0x63: {  	_ =	shalt  }
0x64: {  	_ =	shalt  }
0x65: {  	_ =	shalt  }
0x66: {  	_ =	shalt  }
0x67: {  	_ =	shalt  }
0x68: {  	_ =	shalt  }
0x69: {  	_ =	shalt  }
0x6a: {  	_ =	shalt  }
0x6b: {  	_ =	shalt  }
0x6c: {  	_ =	shalt  }
0x6d: {  	_ =	shalt  }
0x6e: {  	_ =	shalt  }
0x6f: {  	_ =	shalt  }
0x70: {  	_ =	shalt  }
0x71: {  	_ =	shalt  }
0x72: {  	_ =	shalt  }
0x73: {  	_ =	shalt  }
0x74: {  	_ =	shalt  }
0x75: {  	_ =	shalt  }
0x76: {  	_ =	shalt  }
0x77: {  	_ =	shalt  }
0x78: {  	_ =	shalt  }
0x79: {  	_ =	shalt  }
0x7a: {  	_ =	shalt  }
0x7b: {  	_ =	shalt  }
0x7c: {  	_ =	shalt  }
0x7d: {  	_ =	shalt  }
0x7e: {  	_ =	shalt  }
0x7f: {  	_ =	shalt  }
0x80: {  	_ =	shalt  }
0x81: {  	_ =	shalt  }
0x82: {  	_ =	shalt  }
0x83: {  	_ =	shalt  }
0x84: {  	_ =	shalt  }
0x85: {  	_ =	shalt  }
0x86: {  	_ =	shalt  }
0x87: {  	_ =	shalt  }
.Lfunc_end0:
.L_simem_size_0:
called_computation_lowered:
.L_overlay_start_0:
0x88: {  	s2 =	sld [smem:$0x3FD9]  }
0x89: {  	s3 =	sld [smem:$0x3FFE];
	_ =	sdelay $0x1  }
0x8a: {  	s1 =	srdreg.scid  }
0x8b: {  	s0 =	sand.u32 $0x1, s1  }
0x8c: {  	s17 =	sshll.u32 s0, $0xA;
	s2 =	sadd.s32 s3, s2  }
0x8d: {  	s2 =	sadd.s32 s2, s17  }
0x8e: {  	[smem:$0x3FAC] =	sst s2  }
0x8f: {  	_ = 	snop  }
0x90: {  	s2 =	sld [smem:$0x3FD0];
	(tm) =	ssettm $0x1  }
0x91: {  	s18 =	sld [smem:$0x3FFB];
	_ =	sdelay $0x3  }
0x92: {  	_ =	strace s18  }
0x93: {  	s3 =	sld [smem:$0x3FFC];
	_ =	sdelay $0x3  }
0x94: {  	_ =	strace s3  }
0x95: {  	s3 =	sld [smem:$0x3FFD];
	_ =	sdelay $0x3  }
0x96: {  	_ =	strace s3  }
0x97: {  	_ =	strace $0x8FFFFFFF  }
0x98: {  	s19 =	sld [smem:$0x3FDB];
	_ =	sdelay $0x1  }
0x99: {  	s4 =	simm.s32 $_scs_section_size  }
0x9a: {  	s5 =	simm.s32 $_size__tile_overlayer_lowered;
	s6 =	simm.s32 $_tile_overlayer_lowered  }
0x9b: {  	s22 =	simm.s32 $0x1BFF;
	s21 =	sshll.u32 s6, $0x1;
	s3 =	sadd.s32 s4, s19  }
0x9c: {  	s7 =	simm.s32 $0x0;
	s20 =	sshll.u32 s5, $0x1;
	s5 =	sadd.s32 s21, s3  }
0x9d: {  	[timem:s7], [sflag:s22] =	dma.local [hbm:s5], s20  }
0x9e: {  	_ =	swait.ge [sflag:s22], s20  }
0x9f: {  	s4 =	ssub.s32 $0x0, s20;
	[sflag:s22] =	ssyncset.done $0x0  }
0xa0: {  	[sflag:s22] =	ssyncadd.s32 s4;
	_ =	sdelay $0x1  }
0xa1: {  	s23 =	simm.s32 $0x1B8B  }
0xa2: {  	_ =	swait.ge [sflag:s23], $0x1  }
0xa3: {  	[sflag:s23] =	ssyncset.done $0x0  }
0xa4: {  	s25 =	simm.s32 $0x1B8E;
	s24 =	sld [smem:$0x3FFE];
	[sflag:s23] =	ssyncadd.s32 $0xFFFFFFFF  }
0xa5: {  	s26 =	simm.s32 $execute0_lowered;
	[smem:$0x3FD2] =	sst s25  }
0xa6: {  	s5 =	sshll.u32 s26, $0x1;
	_ =	strace $0x80000046;
	[dreg:$0x1] =	wrdreg $0xFFFFFFFF  }
0xa7: {  	s28 =	simm.s32 $_size_execute0_lowered;
	s3 =	sadd.s32 s3, s5;
	[dreg:$0x0] =	wrdreg $0x0  }
0xa8: {  	s5 =	sshll.u32 s28, $0x1;
	[dreg:$0x2] =	wrdreg s3  }
0xa9: {  	[dreg:$0x3] =	wrdreg s5  }
0xaa: {  	[dreg:$0x4] =	wrdreg $0xC0  }
0xab: {  	_ =	task [dreg:s7], $0x5FFFF  }
0xac: {  	[dreg:$0x1] =	wrdreg $0xFFFFFFFF  }
0xad: {  	[dreg:$0x0] =	wrdreg $0x60  }
0xae: {  	[dreg:$0x2] =	wrdreg s2  }
0xaf: {  	[dreg:$0x3] =	wrdreg s24  }
0xb0: {  	[dreg:$0x4] =	wrdreg $0x98000  }
0xb1: {  	[dreg:$0x5] =	wrdreg $0x9  }
0xb2: {  	_ =	task.clear_ibuf [dreg:s7], $0x6FFFF;
	_ =	strace $0x90000046  }
0xb3: {  	s29 =	simm.s32 $0x9;
	_ =	strace $0x80000048  }
0xb4: {  	_ =	swait.ge [sflag:s29], $0x1  }
0xb5: {  	[sflag:s29] =	ssyncadd.s32 $0xFFFFFFFF  }
0xb6: {  	_ =	strace $0x90000048  }
0xb7: {  	_ =	sfence  }
0xb8: {  	s30 =	sld [smem:$0x0];
	_ =	sdelay $0x2  }
0xb9: {  	s31 =	sshll.u32 s1, $0xD;
	s1 =	sshrl.u32 s1, $0x2  }
0xba: {  	s3 =	sand.u32 $0x4000, s31;
	s1 =	sadd.s32 s1, s30  }
0xbb: {  	s0 =	sor.u32 s3, s0;
	s1 =	sshll.u32 s1, $0x11  }
0xbc: {  	s0 =	sor.u32 s1, s0  }
0xbd: {  	s0 =	sadd.s32 $0x8F2B, s0  }
0xbe: {  	[sflag:s0] =	ssyncadd.remote.s32 $0x1  }
0xbf: {  	_ =	sfence.sel $0xFFFF  }
0xc0: {  	[dreg:$0x0] =	wrdreg $0xFFFFFFFF;
	(pc) =	sbr.abs _section_cstart, $3  }
0xc1: {  	[dreg:$0x1] =	wrdreg $0xFFFFFFFF  }
0xc2: {  	_ =	task.clear_ibuf [dreg:s7], $0x2FFFF;
	_ =	strace $0x9FFFFFFF  }
0xc3: {  	(tm) =	ssettm $0x7FFFFFFF  }
tec
execute0_lowered:
.L_overlay_start_1:
0x0: {  	(tag) =	ssettag $0x1  }
0x1: {  	s1 =	rddreg [dreg:$0x0]  }
0x2: {  	s7 =	rddreg [dreg:$0x1]  }
0x3: {  	s2 =	rddreg [dreg:$0x2]  }
0x4: {  	s3 =	simm.s32 $0x0;
	s6 =	srdreg.scid;
	s0 =	stileid.u32  }
0x5: {  	s18 =	simm.s32 $0x50;
	s19 =	simm.s32 $0x2000;
	s20 =	simm.s32 $0x80  }
0x6: {  	s21 =	simm.s32 $0x4800;
	s22 =	simm.s32 $0x0;
	[smem:$0x7FF] =	sst s3  }
0x7: {  	s5 =	sadd.s32 $0x4A00, s7;
	s14 =	sand.u32 $0x1, s6;
	s9 =	smul.u32 $0x4E000, s0  }
0x8: {  	s6 =	sadd.s32 $0x2CA00, s7;
	s11 =	sadd.s32 $0x2F200, s7;
	s10 =	smul.u32 $0x2700, s0  }
0x9: {  	s16 =	smul.u32 $0x13800, s0;
	s7 =	sadd.s32 $0x138000, s2;
	s29 =	sadd.s32 $0x27000, s1  }
0xa: {  	p1 =	sne.s32 s0, $0xF;
	s31 =	sshll.u32 s0, $0x6;
	_ =	strace $0x80000047  }
0xb: {  	s8 =	ssub.s32 $0x2, s14;
	s26 =	sshll.u32 s14, $0x4;
	s12 =	smul.u32 $0x138800, s14  }
0xc: {  	[dreg:$0x5] =	wrdreg s29;
	p0 =	sne.s32 s14, $0x0;
	s14 =	sor.u32 $0x1C04, s31  }
0xd: {  	s25 =	sshrl.u32 s8, $0x1;
	s15 =	sor.u32 s0, s26;
	s28 =	sshrl.u32 s9, $0x2  }
0xe: {  	s4 =	sadd.s32 s1, s10;
	s13 =	ssub.s32 s8, s25;
	s17 =	sadd.s32 s28, s2  }
0xf: {  	[dreg:$0x4] =	wrdreg s4;
	s16 =	sadd.s32 s16, s12;
	s12 =	sshrl.u32 s12, $0x3  }
0x10: {  	s10 =	smul.u32 $0x5000, s15;
	s30 =	sshrl.u32 s16, $0x3;
	s12 =	sadd.s32 s11, s12  }
0x11: {  	s13 =	smax.u32 s13, $0x1;
	s15 =	sshrl.u32 s17, $0x3;
	s16 =	simm.s32 $0x4  }
0x12: {  	s17 =	sshrl.u32 s7, $0x3;
	s11 =	sadd.s32 s11, s30;
	s12 =	sadd.s32 $0x27000, s12  }
.LBB2_1:
.Ltmp0:
0x13: {  	(pc) =	sbr.rel @p0 .LBB2_4-.Ltmp0, $1  }
0x14: {  	_ =	sdelay $0x3  }
.Ltmp1:
0x15: {  	s0 =	rddreg [dreg:$0x4];
	(pc) =	sbr.rel @p1 .LBB2_7-.Ltmp1, $4  }
0x16: {  	[spmem:s15], [sflag:s14] =	dma.local [hbm:s0], $0x2700  }
0x17: {  	_ =	swait.ge [sflag:s16], $0x2700  }
0x18: {  	[sflag:s16] =	ssyncset.done $0x0  }
0x19: {  	[sflag:s16] =	ssyncadd.s32 $0xFFFFD900  }
.Ltmp2:
0x1a: {  	(pc) =	sbr.rel .LBB2_6-.Ltmp2, $3  }
0x1b: {  	_ =	sdelay $0x1  }
0x1c: {  	s0 =	rddreg [dreg:$0x5]  }
0x1d: {  	[spmem:s17], [sflag:s14] =	dma.local [hbm:s0], $0x100  }
.LBB2_4:
.Ltmp3:
0x1e: {  	(pc) =	sbr.rel @p1 .LBB2_7-.Ltmp3, $4  }
0x1f: {  	[spmem:s15], [sflag:s14] =	dma.local [hbm:s6], $0x2700  }
0x20: {  	_ =	swait.ge [sflag:s16], $0x2700  }
0x21: {  	[sflag:s16] =	ssyncset.done $0x0  }
0x22: {  	[sflag:s16] =	ssyncadd.s32 $0xFFFFD900  }
0x23: {  	[spmem:s17], [sflag:s14] =	dma.local [hbm:s6], $0x100  }
.LBB2_6:
0x24: {  	_ =	swait.ge [sflag:s16], $0x100  }
0x25: {  	[sflag:s16] =	ssyncset.done $0x0  }
0x26: {  	[sflag:s16] =	ssyncadd.s32 $0xFFFFFF00  }
.LBB2_7:
0x27: {  	[bflag:$0x0] =	sbarrier.arrive $0xFFFF;
	s23 =	simm.s32 $0x0  }
.LBB2_8:
0x28: {  	s24 =	sshll.u32 s23, $0xC  }
0x29: {  	s24 =	sadd.s32 s10, s24  }
0x2a: {  	s24 =	sshrl.u32 s24, $0x3  }
0x2b: {  	s24 =	sadd.s32 s5, s24  }
0x2c: {  	[tilespmem:s3], [sflag:$0x4] =	stream.linear.gather [hbm4b:s24+s3], $0xC80, $0x38;
	[tilespmem:$0x1D080] =	vst v63  }
0x2d: {  	_ =	swait.ge [sflag:s16], $0xC80  }
0x2e: {  	s30 =	simm.s32 $0x1000;
	[sflag:s16] =	ssyncset.done $0x0  }
0x2f: {  	s25 =	simm.s32 $0x0;
	s24 =	sadd.s32 $0x14000, s24;
	[sflag:s16] =	ssyncadd.s32 $0xFFFFF380  }
0x30: {  	[tilespmem:s30], [sflag:$0x4] =	stream.linear.gather [hbm4b:s24+s3], $0xC80, $0x38;
	[tilespmem:$0x1D080] =	vst v63  }
0x31: {  	p2 =	por $0x0, $0x0;
	s25 =	smul.u32 $0xAB, s25;
	s24 =	simm.s32 $0x2  }
0x32: {  	s24 =	smul.u32 @!p2 $0xAB, s24  }
0x33: {  	s25 =	sshrl.u32 s25, $0x9  }
0x34: {  	s25 =	sand.u32 $0x7F, s25;
	_ =	swait.ge [sflag:s16], $0xC80;
	s24 =	sshrl.u32 @!p2 s24, $0x9  }
0x35: {  	s25 =	smul.u32 $0x3, s25;
	[sflag:s16] =	ssyncset.done $0x0;
	s24 =	sand.u32 @!p2 $0x7F, s24  }
0x36: {  	s29 =	simm.s32 $0x100;
	[sflag:s16] =	ssyncadd.s32 $0xFFFFF380;
	s24 =	smul.u32 @!p2 $0x3, s24  }
0x37: {  	[tilespmem:s19], [sflag:$0x1] =	stream.indirect.gather [hbm4b:s1+s18], $0x80, s3, s18, $0xb8;
	[tilespmem:$0x1D080] =	vst v63  }
0x38: {  	s26 =	simm.s32 $0x3;
	s28 =	simm.s32 $0x4;
	s24 =	ssub.s32 @!p2 $0x2, s24  }
0x39: {  	s9 =	simm.s32 @!p2 $0x50;
	s4 =	ssub.s32 $0x0, s25;
	s24 =	sand.u32 @!p2 $0xFF, s24  }
0x3a: {  	s25 =	simm.s32 $0x180;
	s4 =	sand.u32 $0xFF, s4;
	s31 =	smul.u32 @!p2 $0xA000, s24  }
0x3b: {  	[tilespmem:s21], [sflag:$0x2] =	stream.indirect.gather [hbm4b:s1+s18], $0x80, s20, s18, $0xb8;
	[tilespmem:$0x1D080] =	vst v63  }
0x3c: {  	s8 =	smul.u32 $0xA000, s4;
	s4 =	sadd.s32 $0x1, s4;
	s31 =	sshrl.u32 @!p2 s31, $0x2  }
0x3d: {  	s0 =	sadd.s32 @!p2 $0x1, s24;
	s24 =	simm.s32 $0x1080;
	s31 =	sadd.s32 @!p2 $0x2000, s31  }
0x3e: {  	[tilespmem:s31], [sflag:s0] =	stream.indirect.gather @!p2 [hbm4b:s1+s9], $0x80, s29, s9, $0xb8;
	[tilespmem:$0x1D080] =	vst v63  }
0x3f: {  	s29 =	simm.s32 $0x1;
	s0 =	sshrl.u32 s8, $0x2;
	_ =	swait.ge [sflag:s4], $0x2800  }
0x40: {  	p2 =	por $0x0, $0x0;
	s8 =	smul.u32 $0xAB, s29;
	[sflag:s4] =	ssyncset.done $0x0  }
0x41: {  	s9 =	smul.u32 @!p2 $0xAB, s26;
	s0 =	sadd.s32 $0x2000, s0;
	[sflag:s4] =	ssyncadd.s32 $0xFFFFD800  }
0x42: {  	[spmem:s2] =	stream.indirect.scatter.add.f32 [tilespmem:s0], [sflag:$0x4], $0x80, s30, s18, $0xb8;
	[tilespmem:$0x1D080] =	vst v63  }
0x43: {  	s0 =	sshrl.u32 @!p2 s9, $0x9;
	s9 =	sshrl.u32 s8, $0x9;
	_ =	swait.ge [sflag:s16], $0x2800  }
0x44: {  	s31 =	sand.u32 @!p2 $0x7F, s0;
	s30 =	sand.u32 $0x7F, s9;
	[sflag:s16] =	ssyncset.done $0x0  }
.LBB2_9:
0x45: {  	s0 =	smul.u32 @!p2 $0x3, s31;
	[sflag:s16] =	ssyncadd.s32 $0xFFFFD800;
	s4 =	smov.u32 s28  }
0x46: {  	s28 =	sadd.s32 $0x1, s28;
	s8 =	smov.u32 s25;
	s9 =	smov.u32 s24  }
0x47: {  	p3 =	sne.s32 s28, $0x1B  }
0x48: {  	s0 =	ssub.s32 @!p2 s26, s0;
	s26 =	smov.u32 s4  }
0x49: {  	s4 =	smul.u32 $0x3, s30;
	s0 =	sand.u32 @!p2 $0xFF, s0  }
0x4a: {  	s30 =	smul.u32 @!p2 $0xA000, s0;
	s0 =	sadd.s32 @!p2 $0x1, s0  }
0x4b: {  	s25 =	sadd.s32 $0x80, s25;
	s24 =	sadd.s32 $0x80, s24;
	s4 =	ssub.s32 s29, s4  }
0x4c: {  	s4 =	sand.u32 $0xFF, s4;
	s29 =	sshrl.u32 @!p2 s30, $0x2;
	s30 =	simm.s32 @!p2 $0x50  }
0x4d: {  	s31 =	smul.u32 $0xA000, s4;
	s4 =	sadd.s32 $0x1, s4;
	s29 =	sadd.s32 @!p2 $0x2000, s29  }
0x4e: {  	[tilespmem:s29], [sflag:s0] =	stream.indirect.gather @!p2 [hbm4b:s1+s30], $0x80, s8, s30, $0xb8;
	[tilespmem:$0x1D080] =	vst v63  }
0x4f: {  	s29 =	sadd.s32 $0xFFFFFFFE, s26  }
0x50: {  	s0 =	sshrl.u32 s31, $0x2;
	_ =	swait.ge [sflag:s4], $0x2800;
	s8 =	smul.u32 $0xAB, s29  }
.Ltmp4:
0x51: {  	p2 =	sgt.u32 s29, $0x16;
	[sflag:s4] =	ssyncset.done $0x0;
	(pc) =	sbr.rel @p3 .LBB2_9-.Ltmp4, $4  }
0x52: {  	s0 =	sadd.s32 $0x2000, s0;
	s30 =	smul.u32 @!p2 $0xAB, s26;
	[sflag:s4] =	ssyncadd.s32 $0xFFFFD800  }
0x53: {  	[spmem:s2] =	stream.indirect.scatter.add.f32 [tilespmem:s0], [sflag:$0x4], $0x80, s9, s18, $0xb8;
	[tilespmem:$0x1D080] =	vst v63  }
0x54: {  	s4 =	sshrl.u32 s8, $0x9;
	s0 =	sshrl.u32 @!p2 s30, $0x9;
	_ =	swait.ge [sflag:s16], $0x2800  }
0x55: {  	s30 =	sand.u32 $0x7F, s4;
	s31 =	sand.u32 @!p2 $0x7F, s0;
	[sflag:s16] =	ssyncset.done $0x0  }
0x56: {  	s0 =	smul.u32 @!p2 $0x3, s31;
	_ =	sdelay $0x1  }
0x57: {  	s0 =	ssub.s32 @!p2 s26, s0  }
0x58: {  	s4 =	smul.u32 $0x3, s30;
	s0 =	sand.u32 @!p2 $0xFF, s0  }
0x59: {  	s8 =	smul.u32 @!p2 $0xA000, s0  }
0x5a: {  	[sflag:s16] =	ssyncadd.s32 $0xFFFFD800;
	s9 =	simm.s32 @!p2 $0x50;
	s4 =	ssub.s32 s29, s4  }
0x5b: {  	s4 =	sand.u32 $0xFF, s4;
	s0 =	sadd.s32 @!p2 $0x1, s0;
	s8 =	sshrl.u32 @!p2 s8, $0x2  }
0x5c: {  	s30 =	smul.u32 $0xA000, s4;
	s4 =	sadd.s32 $0x1, s4;
	s8 =	sadd.s32 @!p2 $0x2000, s8  }
0x5d: {  	[tilespmem:s8], [sflag:s0] =	stream.indirect.gather @!p2 [hbm4b:s1+s9], $0x80, s25, s9, $0xb8;
	[tilespmem:$0x1D080] =	vst v63  }
0x5e: {  	s23 =	sadd.s32 $0x1, s23;
	_ =	swait.ge [sflag:s4], $0x2800  }
0x5f: {  	s31 =	sshrl.u32 s30, $0x2;
	p2 =	sne.s32 s23, $0x5;
	[sflag:s4] =	ssyncset.done $0x0  }
.Ltmp5:
0x60: {  	s0 =	sadd.s32 $0x2000, s31;
	[sflag:s4] =	ssyncadd.s32 $0xFFFFD800;
	(pc) =	sbr.rel @p2 .LBB2_8-.Ltmp5, $4  }
0x61: {  	[spmem:s2] =	stream.indirect.scatter.add.f32 [tilespmem:s0], [sflag:$0x4], $0x80, s24, s18, $0xb8;
	[tilespmem:$0x1D080] =	vst v63  }
0x62: {  	_ =	swait.ge [sflag:s16], $0x2800  }
0x63: {  	[sflag:s16] =	ssyncset.done $0x0  }
0x64: {  	[sflag:s16] =	ssyncadd.s32 $0xFFFFD800  }
0x65: {  	[bflag:$0x0] =	sbarrier.arrive $0xFFFF  }
0x66: {  	[hbm:s11], [sflag:s14] =	dma.local [spmem:s15], $0x2700  }
0x67: {  	_ =	swait.ge [sflag:s16], $0x2700  }
0x68: {  	s22 =	sadd.s32 $0x1, s22;
	[sflag:s16] =	ssyncset.done $0x0  }
0x69: {  	s0 =	sshrl.u32 @!p1 s7, $0x3;
	p2 =	sne.s32 s22, s13;
	[sflag:s16] =	ssyncadd.s32 $0xFFFFD900  }
0x6a: {  	[hbm:s12], [sflag:s14] =	dma.local @!p1 [spmem:s0], $0x100  }
.Ltmp6:
0x6b: {  	_ = 	snop;
	(pc) =	sbr.rel @p2 .LBB2_1-.Ltmp6, $4  }
0x6c: {  	s0 =	simm.s32 @!p1 $0x4  }
0x6d: {  	_ =	swait.ge @!p1 [sflag:s0], $0x100  }
0x6e: {  	[sflag:s0] =	ssyncset.done @!p1 $0x0  }
0x6f: {  	[sflag:s0] =	ssyncadd.s32 @!p1 $0xFFFFFF00  }
0x70: {  	_ =	sfence.sel $0x180000  }
0x71: {  	[bflag:$0x0] =	sbarrier.arrive $0xFFFF  }
0x72: {  	_ =	strace $0x90000047  }
0x73: {  	s0 =	stileid.u32;
	[bflag:$0x2] =	sbarrier.arrive $0xFFFF  }
0x74: {  	p0 =	sne.s32 s0, $0x0;
	s0 =	rddreg [dreg:$0x3]  }
0x75: {  	s0 =	sadd.s32 @!p0 $0x100000, s0  }
0x76: {  	[sflag:s0] =	ssyncadd.tile.s32 @!p0 $0x1;
	_ =	shalt  }
.Lfunc_end2:
_tile_overlayer_lowered:
.L_overlay_start_2:
0x77: {  	(tag) =	ssettag $0x2  }
0x78: {  	s0 =	rddreg [dreg:$0x0];
	s2 =	stileid.u32  }
0x79: {  	s1 =	rddreg [dreg:$0x1];
	p0 =	sne.s32 s2, $0x0  }
0x7a: {  	s3 =	rddreg [dreg:$0x2];
	[bflag:$0x3] =	sbarrier.arrive $0xFFFF;
	s2 =	simm.s32 @!p0 $0x1C04  }
0x7b: {  	[timem:s3], [sflag:s2] =	dma.local @!p0 [hbm:s0], s1  }
0x7c: {  	s0 =	simm.s32 @!p0 $0x4  }
0x7d: {  	_ =	swait.ge @!p0 [sflag:s0], s1  }
0x7e: {  	s1 =	ssub.s32 @!p0 $0x0, s1;
	[sflag:s0] =	ssyncset.done @!p0 $0x0  }
0x7f: {  	[sflag:s0] =	ssyncadd.s32 @!p0 s1  }
0x80: {  	[bflag:$0x3] =	sbarrier.arrive $0xFFFF  }
0x81: {  	_ =	shalt  }

</sc_bundles>
